<compile_context>
chip_gen: v7x
topology: tpu7x:2x2x1
jax: 0.10.2.dev20260603
libtpu: 0.0.44.dev20260713+nightly
codegen_flags: <defaults>
</compile_context>

<pallas_src>
import functools

import jax
import jax.numpy as jnp
from jax import lax
from jax.experimental import pallas as pl
from jax.experimental.pallas import tpu as pltpu
from jax.experimental.pallas import tpu_sc as plsc

D = 16
CHUNK = 128
NC = 2
NS = 16
NW = NC * NS
NBUF = 6
LA = 4


def _proj_kernel(x_ref, w_ref, brow_ref, y_ref, r_ref):
    h = jnp.dot(x_ref[...], w_ref[...],
                preferred_element_type=jnp.float32) + brow_ref[...]
    y_ref[...] = h[:, :D]
    r_ref[...] = h[:, D:]


def _mlp_kernel(part_ref, w1_ref, b1_ref, w2_ref, b2_ref, o_ref):
    p = part_ref[0] + part_ref[1]
    p = jnp.where(p >= 0, p, 0.01 * p)
    p = jnp.dot(p, w1_ref[...], preferred_element_type=jnp.float32) + b1_ref[...]
    p = jnp.where(p >= 0, p, 0.01 * p)
    o_ref[...] = jnp.dot(p, w2_ref[...], preferred_element_type=jnp.float32) + b2_ref[...]


def _make_agg(n_nodes, n_edges, interpret=False):
    acc_rows = ((n_nodes + 8 * NS - 1) // (8 * NS)) * (8 * NS)
    zrows = acc_rows // NS
    last = n_nodes - (NS - 1) * zrows
    assert 0 < last <= zrows
    assert n_edges % CHUNK == 0
    nrows = n_edges // CHUNK
    base_cpt = nrows // NW
    extra = nrows - base_cpt * NW
    ngrp = base_cpt // NBUF
    rest = base_cpt - ngrp * NBUF
    assert ngrp >= 1
    mesh = plsc.VectorSubcoreMesh(core_axis_name="c", subcore_axis_name="s",
                                  num_cores=NC, num_subcores=NS)

    @functools.partial(
        pl.kernel,
        out_type=jax.ShapeDtypeStruct((NC, n_nodes, D), jnp.float32),
        mesh=mesh,
        scratch_types=[
            pltpu.VMEM((base_cpt + 1, 2, CHUNK), jnp.int32),
            pltpu.VMEM((NBUF, CHUNK, D), jnp.float32),
            pltpu.VMEM_SHARED((acc_rows, D), jnp.float32),
            [pltpu.SemaphoreType.DMA] * NBUF,
            [pltpu.SemaphoreType.DMA] * NBUF,
        ],
        compiler_params=pltpu.CompilerParams(use_tc_tiling_on_sc=False),
        interpret=interpret,
    )
    def agg(y_hbm, r_hbm, ei_hbm, z_hbm, out_hbm, ei_v, rows_v, acc_sh,
            gsems, ssems):
        c = lax.axis_index("c")
        s = lax.axis_index("s")
        wid = s * NC + c
        start = wid * base_cpt + jnp.minimum(wid, extra)

        @pl.when(c == 0)
        def _():
            @pl.when(s < NS - 1)
            def _():
                pltpu.sync_copy(r_hbm.at[pl.ds(s * zrows, zrows)],
                                acc_sh.at[pl.ds(s * zrows, zrows)])

            @pl.when(s == NS - 1)
            def _():
                pltpu.sync_copy(r_hbm.at[pl.ds((NS - 1) * zrows, last)],
                                acc_sh.at[pl.ds((NS - 1) * zrows, last)])

        @pl.when(c == 1)
        def _():
            pltpu.sync_copy(z_hbm, acc_sh.at[pl.ds(s * zrows, zrows)])

        @pl.when(wid < extra)
        def _():
            pltpu.sync_copy(ei_hbm.at[pl.ds(start, base_cpt + 1)], ei_v)

        @pl.when(wid >= extra)
        def _():
            pltpu.sync_copy(ei_hbm.at[pl.ds(start, base_cpt)],
                            ei_v.at[pl.ds(0, base_cpt)])

        plsc.subcore_barrier()

        for b in range(LA):
            pltpu.async_copy(y_hbm.at[ei_v.at[b, 0]], rows_v.at[b], gsems[b])

        def step(j, b, bf):
            pltpu.make_async_copy(y_hbm.at[ei_v.at[j, 0]], rows_v.at[b],
                                  gsems[b]).wait()
            pltpu.async_copy(rows_v.at[b], acc_sh.at[ei_v.at[j, 1]],
                             ssems[b], add=True)
            f = j + LA

            @pl.when(f < base_cpt)
            def _():
                @pl.when(f >= NBUF)
                def _():
                    pltpu.make_async_copy(
                        rows_v.at[bf], acc_sh.at[ei_v.at[f - NBUF, 1]],
                        ssems[bf]).wait()

                pltpu.async_copy(y_hbm.at[ei_v.at[f, 0]], rows_v.at[bf],
                                 gsems[bf])

        def body(g, carry):
            base = g * NBUF
            for b in range(NBUF):
                step(base + b, b, (b + LA) % NBUF)
            return carry

        lax.fori_loop(0, ngrp, body, 0)
        for j in range(ngrp * NBUF, base_cpt):
            step(j, j % NBUF, (j + LA) % NBUF)
        for j in range(base_cpt - NBUF, base_cpt):
            b = j % NBUF
            pltpu.make_async_copy(rows_v.at[b], acc_sh.at[ei_v.at[j, 1]],
                                  ssems[b]).wait()

        @pl.when(wid < extra)
        def _():
            pltpu.sync_copy(y_hbm.at[ei_v.at[base_cpt, 0]], rows_v.at[0])
            pltpu.sync_copy(rows_v.at[0], acc_sh.at[ei_v.at[base_cpt, 1]],
                            add=True)

        plsc.subcore_barrier()

        @pl.when(s < NS - 1)
        def _():
            pltpu.sync_copy(acc_sh.at[pl.ds(s * zrows, zrows)],
                            out_hbm.at[c, pl.ds(s * zrows, zrows)])

        @pl.when(s == NS - 1)
        def _():
            pltpu.sync_copy(acc_sh.at[pl.ds((NS - 1) * zrows, last)],
                            out_hbm.at[c, pl.ds((NS - 1) * zrows, last)])

    return agg


def _run(x, edge_index, W_l, b_l, W_r, W1, b1, W2, b2, interpret=False):
    n_nodes, d_in = x.shape
    n_edges = edge_index.shape[1]
    br = 2000 if n_nodes % 2000 == 0 else n_nodes

    ei3 = jnp.transpose(
        edge_index.astype(jnp.int32).reshape(2, n_edges // CHUNK, CHUNK),
        (1, 0, 2))

    w_cat = jnp.concatenate([W_l, W_r], axis=0).T
    brow = jnp.concatenate([jnp.zeros_like(b_l), b_l]).reshape(1, 2 * D)
    grid = n_nodes // br
    h = pl.pallas_call(
        _proj_kernel,
        grid=(grid,),
        in_specs=[
            pl.BlockSpec((br, d_in), lambda i: (i, 0)),
            pl.BlockSpec((d_in, 2 * D), lambda i: (0, 0)),
            pl.BlockSpec((1, 2 * D), lambda i: (0, 0)),
        ],
        out_specs=[
            pl.BlockSpec((br, D), lambda i: (i, 0)),
            pl.BlockSpec((br, D), lambda i: (i, 0)),
        ],
        out_shape=[jax.ShapeDtypeStruct((n_nodes, D), jnp.float32)] * 2,
        interpret=interpret,
    )(x, w_cat, brow)

    zrows = (((n_nodes + 8 * NS - 1) // (8 * NS)) * (8 * NS)) // NS
    part = _make_agg(n_nodes, n_edges, interpret=interpret)(
        h[0], h[1], ei3, jnp.zeros((zrows, D), jnp.float32))

    np8 = n_nodes * D // 128
    eye8 = jnp.eye(8, dtype=jnp.float32)
    out_p = pl.pallas_call(
        _mlp_kernel,
        grid=(1,),
        in_specs=[
            pl.BlockSpec((NC, np8, 128), lambda i: (0, i, 0)),
            pl.BlockSpec((128, 128), lambda i: (0, 0)),
            pl.BlockSpec((1, 128), lambda i: (0, 0)),
            pl.BlockSpec((128, 128), lambda i: (0, 0)),
            pl.BlockSpec((1, 128), lambda i: (0, 0)),
        ],
        out_specs=pl.BlockSpec((np8, 128), lambda i: (i, 0)),
        out_shape=jax.ShapeDtypeStruct((np8, 128), jnp.float32),
        interpret=interpret,
    )(part.reshape(NC, np8, 128), jnp.kron(eye8, W1.T),
      jnp.tile(b1, 8).reshape(1, 128), jnp.kron(eye8, W2.T),
      jnp.tile(b2, 8).reshape(1, 128))
    return out_p.reshape(n_nodes, D)


def kernel(x, edge_index, W_l, b_l, W_r, W1, b1, W2, b2):
    return _run(x, edge_index, W_l, b_l, W_r, W1, b1, W2, b2)

# --- scband reference (transcript-rebuilt; emitter-appended) ---
"""Pipeline reference for scband-sage-6416681140927 (READ-ONLY COPY).

The authoritative reference and input builder live on the scoring server;
editing this copy changes nothing except your own understanding.
"""

import jax, jax.numpy as jnp
import numpy as np

N_NODES = 10000
N_EDGES = 320000
D_IN = 128
D_HID = 16
BATCH_SIZE = 10000


def setup_inputs(seed: int = 0) -> dict:
    key = jax.random.key(seed)
    ks = jax.random.split(key, 10)
    x = jax.random.normal(ks[0], (N_NODES, D_IN), dtype=jnp.float32)
    edge_index = jax.random.randint(ks[1], (2, N_EDGES), 0, N_NODES)
    # SAGEConv(in=128, out=16, aggr='add', normalize=False): lin_l (with bias) on aggregated
    # neighbors, lin_r (no bias) on root/target nodes.
    s_in = 1.0 / np.sqrt(D_IN)
    s_hid = 1.0 / np.sqrt(D_HID)
    W_l = jax.random.uniform(ks[2], (D_HID, D_IN), jnp.float32, -s_in, s_in)
    b_l = jax.random.uniform(ks[3], (D_HID,), jnp.float32, -s_in, s_in)
    W_r = jax.random.uniform(ks[4], (D_HID, D_IN), jnp.float32, -s_in, s_in)
    W1 = jax.random.uniform(ks[5], (D_HID, D_HID), jnp.float32, -s_hid, s_hid)
    b1 = jax.random.uniform(ks[6], (D_HID,), jnp.float32, -s_hid, s_hid)
    W2 = jax.random.uniform(ks[7], (D_HID, D_HID), jnp.float32, -s_hid, s_hid)
    b2 = jax.random.uniform(ks[8], (D_HID,), jnp.float32, -s_hid, s_hid)
    return {"x": x, "edge_index": edge_index, "W_l": W_l, "b_l": b_l, "W_r": W_r,
            "W1": W1, "b1": b1, "W2": W2, "b2": b2}


def reference(x, edge_index, W_l, b_l, W_r, W1, b1, W2, b2):
    src = edge_index[0]
    dst = edge_index[1]
    # message: gather source-node features
    msgs = jnp.take(x, src, axis=0)
    # aggregate: scatter-add into target nodes (aggr='add')
    agg = jax.ops.segment_sum(msgs, dst, num_segments=BATCH_SIZE)
    x_target = x[:BATCH_SIZE]
    # SAGEConv: lin_l(agg) + lin_r(x_target); normalize=False
    h = agg @ W_l.T + b_l + x_target @ W_r.T
    h = jax.nn.leaky_relu(h, negative_slope=0.01)
    # dropout p=0.0 -> identity
    h = h @ W1.T + b1
    h = jax.nn.leaky_relu(h, negative_slope=0.01)
    h = h @ W2.T + b2
    return h

if __name__ == "__main__":
    import jax
    _d = setup_inputs()
    print(jax.jit(kernel)(*tuple(_d.values())))

</pallas_src>

<mosaic_0001>
#map = affine_map<(d0, d1) -> (0, 0)>
#map1 = affine_map<(d0, d1) -> (0, 0, 0)>
module attributes {stable_mosaic.version = 14 : i64} {
  func.func @agg(%arg0: i32, %arg1: i32, %arg2: memref<10000x16xf32, #tpu.memory_space<hbm>>, %arg3: memref<10000x16xf32, #tpu.memory_space<hbm>>, %arg4: memref<2500x2x128xi32, #tpu.memory_space<hbm>>, %arg5: memref<632x16xf32, #tpu.memory_space<hbm>>, %arg6: memref<2x10000x16xf32, #tpu.memory_space<hbm>>, %arg7: memref<79x2x128xi32, #tpu.memory_space<vmem>>, %arg8: memref<6x128x16xf32, #tpu.memory_space<vmem>>, %arg9: memref<10112x16xf32, #tpu.memory_space<vmem_shared>>, %arg10: memref<!tpu.dma_semaphore, #tpu.memory_space<semaphore_mem>>, %arg11: memref<!tpu.dma_semaphore, #tpu.memory_space<semaphore_mem>>, %arg12: memref<!tpu.dma_semaphore, #tpu.memory_space<semaphore_mem>>, %arg13: memref<!tpu.dma_semaphore, #tpu.memory_space<semaphore_mem>>, %arg14: memref<!tpu.dma_semaphore, #tpu.memory_space<semaphore_mem>>, %arg15: memref<!tpu.dma_semaphore, #tpu.memory_space<semaphore_mem>>, %arg16: memref<!tpu.dma_semaphore, #tpu.memory_space<semaphore_mem>>, %arg17: memref<!tpu.dma_semaphore, #tpu.memory_space<semaphore_mem>>, %arg18: memref<!tpu.dma_semaphore, #tpu.memory_space<semaphore_mem>>, %arg19: memref<!tpu.dma_semaphore, #tpu.memory_space<semaphore_mem>>, %arg20: memref<!tpu.dma_semaphore, #tpu.memory_space<semaphore_mem>>, %arg21: memref<!tpu.dma_semaphore, #tpu.memory_space<semaphore_mem>>) attributes {dimension_semantics = [#tpu.dimension_semantics<core_parallel>, #tpu.dimension_semantics<subcore_parallel>], iteration_bounds = array<i64: 2, 16>, scalar_prefetch = 0 : i64, scratch_operands = 15 : i64, tpu.core_type = #tpu.core_type<sc_vector_subcore>, window_params = [{transform_indices = #map}, {transform_indices = #map}, {transform_indices = #map1}, {transform_indices = #map}, {transform_indices = #map1}]} {
    %mul3A = arith.constant 2 : i32
    %mul3A_0 = arith.muli %arg1, %mul3A : i32
    %add3A = arith.addi %mul3A_0, %arg0 : i32
    %mul3A_1 = arith.constant 78 : i32
    %mul3A_2 = arith.muli %add3A, %mul3A_1 : i32
    %min3A = arith.constant 4 : i32
    %min3A_3 = arith.minsi %add3A, %min3A : i32
    %add3A_4 = arith.addi %mul3A_2, %min3A_3 : i32
    %eq3A = arith.constant 0 : i32
    %eq3A_5 = arith.cmpi eq, %arg0, %eq3A : i32
    %convert_element_type3A = arith.extui %eq3A_5 : i1 to i32
    %cond3A = arith.constant 0 : i32
    %cond3A_6 = arith.cmpi ne, %convert_element_type3A, %cond3A : i32
    scf.if %cond3A_6 {
      %lt3A_169 = arith.constant 15 : i32
      %lt3A_170 = arith.cmpi slt, %arg1, %lt3A_169 : i32
      %convert_element_type3A_171 = arith.extui %lt3A_170 : i1 to i32
      %cond3A_172 = arith.constant 0 : i32
      %cond3A_173 = arith.cmpi ne, %convert_element_type3A_171, %cond3A_172 : i32
      scf.if %cond3A_173 {
        %mul3A_179 = arith.constant 632 : i32
        %mul3A_180 = arith.muli %arg1, %mul3A_179 : i32
        %mul3A_181 = arith.constant 632 : i32
        %mul3A_182 = arith.muli %arg1, %mul3A_181 : i32
        "tpu.region"() ({
          %run_scoped3A = tpu.sem_alloc : memref<!tpu.dma_semaphore, #tpu.memory_space<semaphore_mem>>
          %dma_start3A_183 = arith.constant 0 : i32
          %dma_start3A_184 = tpu.memref_slice %arg9[%mul3A_182, %dma_start3A_183] : memref<10112x16xf32, #tpu.memory_space<vmem_shared>> -> memref<632x16xf32, #tpu.memory_space<vmem_shared>>
          %dma_start3A_185 = arith.constant 0 : i32
          %dma_start3A_186 = tpu.memref_slice %arg3[%mul3A_180, %dma_start3A_185] : memref<10000x16xf32, #tpu.memory_space<hbm>> -> memref<632x16xf32, #tpu.memory_space<hbm>>
          tpu.enqueue_dma source(%dma_start3A_186 : memref<632x16xf32, #tpu.memory_space<hbm>>) target(%dma_start3A_184 : memref<632x16xf32, #tpu.memory_space<vmem_shared>>) target_semaphore(%run_scoped3A : memref<!tpu.dma_semaphore, #tpu.memory_space<semaphore_mem>>)
          %dma_wait3A_187 = arith.constant 0 : i32
          %dma_wait3A_188 = tpu.memref_slice %arg9[%mul3A_182, %dma_wait3A_187] : memref<10112x16xf32, #tpu.memory_space<vmem_shared>> -> memref<632x16xf32, #tpu.memory_space<vmem_shared>>
          %dma_wait3A_189 = arith.constant 0 : i32
          %dma_wait3A_190 = tpu.memref_slice %arg3[%mul3A_180, %dma_wait3A_189] : memref<10000x16xf32, #tpu.memory_space<hbm>> -> memref<632x16xf32, #tpu.memory_space<hbm>>
          tpu.wait_dma2 semaphore(%run_scoped3A : memref<!tpu.dma_semaphore, #tpu.memory_space<semaphore_mem>>) src(%dma_wait3A_190 : memref<632x16xf32, #tpu.memory_space<hbm>>) dst(%dma_wait3A_188 : memref<632x16xf32, #tpu.memory_space<vmem_shared>>)
          tpu.yield
        }) : () -> ()
      } else {
      }
      %eq3A_174 = arith.constant 15 : i32
      %eq3A_175 = arith.cmpi eq, %arg1, %eq3A_174 : i32
      %convert_element_type3A_176 = arith.extui %eq3A_175 : i1 to i32
      %cond3A_177 = arith.constant 0 : i32
      %cond3A_178 = arith.cmpi ne, %convert_element_type3A_176, %cond3A_177 : i32
      scf.if %cond3A_178 {
        "tpu.region"() ({
          %run_scoped3A = tpu.sem_alloc : memref<!tpu.dma_semaphore, #tpu.memory_space<semaphore_mem>>
          %dma_start3A_179 = arith.constant 9480 : i32
          %dma_start3A_180 = arith.constant 0 : i32
          %dma_start3A_181 = tpu.memref_slice %arg9[%dma_start3A_179, %dma_start3A_180] : memref<10112x16xf32, #tpu.memory_space<vmem_shared>> -> memref<520x16xf32, #tpu.memory_space<vmem_shared>>
          %dma_start3A_182 = arith.constant 9480 : i32
          %dma_start3A_183 = arith.constant 0 : i32
          %dma_start3A_184 = tpu.memref_slice %arg3[%dma_start3A_182, %dma_start3A_183] : memref<10000x16xf32, #tpu.memory_space<hbm>> -> memref<520x16xf32, #tpu.memory_space<hbm>>
          tpu.enqueue_dma source(%dma_start3A_184 : memref<520x16xf32, #tpu.memory_space<hbm>>) target(%dma_start3A_181 : memref<520x16xf32, #tpu.memory_space<vmem_shared>>) target_semaphore(%run_scoped3A : memref<!tpu.dma_semaphore, #tpu.memory_space<semaphore_mem>>)
          %dma_wait3A_185 = arith.constant 9480 : i32
          %dma_wait3A_186 = arith.constant 0 : i32
          %dma_wait3A_187 = tpu.memref_slice %arg9[%dma_wait3A_185, %dma_wait3A_186] : memref<10112x16xf32, #tpu.memory_space<vmem_shared>> -> memref<520x16xf32, #tpu.memory_space<vmem_shared>>
          %dma_wait3A_188 = arith.constant 9480 : i32
          %dma_wait3A_189 = arith.constant 0 : i32
          %dma_wait3A_190 = tpu.memref_slice %arg3[%dma_wait3A_188, %dma_wait3A_189] : memref<10000x16xf32, #tpu.memory_space<hbm>> -> memref<520x16xf32, #tpu.memory_space<hbm>>
          tpu.wait_dma2 semaphore(%run_scoped3A : memref<!tpu.dma_semaphore, #tpu.memory_space<semaphore_mem>>) src(%dma_wait3A_190 : memref<520x16xf32, #tpu.memory_space<hbm>>) dst(%dma_wait3A_187 : memref<520x16xf32, #tpu.memory_space<vmem_shared>>)
          tpu.yield
        }) : () -> ()
      } else {
      }
    } else {
    }
    %eq3A_7 = arith.constant 1 : i32
    %eq3A_8 = arith.cmpi eq, %arg0, %eq3A_7 : i32
    %convert_element_type3A_9 = arith.extui %eq3A_8 : i1 to i32
    %cond3A_10 = arith.constant 0 : i32
    %cond3A_11 = arith.cmpi ne, %convert_element_type3A_9, %cond3A_10 : i32
    scf.if %cond3A_11 {
      %mul3A_169 = arith.constant 632 : i32
      %mul3A_170 = arith.muli %arg1, %mul3A_169 : i32
      "tpu.region"() ({
        %run_scoped3A = tpu.sem_alloc : memref<!tpu.dma_semaphore, #tpu.memory_space<semaphore_mem>>
        %dma_start3A_171 = arith.constant 0 : i32
        %dma_start3A_172 = tpu.memref_slice %arg9[%mul3A_170, %dma_start3A_171] : memref<10112x16xf32, #tpu.memory_space<vmem_shared>> -> memref<632x16xf32, #tpu.memory_space<vmem_shared>>
        tpu.enqueue_dma source(%arg5 : memref<632x16xf32, #tpu.memory_space<hbm>>) target(%dma_start3A_172 : memref<632x16xf32, #tpu.memory_space<vmem_shared>>) target_semaphore(%run_scoped3A : memref<!tpu.dma_semaphore, #tpu.memory_space<semaphore_mem>>)
        %dma_wait3A_173 = arith.constant 0 : i32
        %dma_wait3A_174 = tpu.memref_slice %arg9[%mul3A_170, %dma_wait3A_173] : memref<10112x16xf32, #tpu.memory_space<vmem_shared>> -> memref<632x16xf32, #tpu.memory_space<vmem_shared>>
        tpu.wait_dma2 semaphore(%run_scoped3A : memref<!tpu.dma_semaphore, #tpu.memory_space<semaphore_mem>>) src(%arg5 : memref<632x16xf32, #tpu.memory_space<hbm>>) dst(%dma_wait3A_174 : memref<632x16xf32, #tpu.memory_space<vmem_shared>>)
        tpu.yield
      }) : () -> ()
    } else {
    }
    %lt3A = arith.constant 4 : i32
    %lt3A_12 = arith.cmpi slt, %add3A, %lt3A : i32
    %convert_element_type3A_13 = arith.extui %lt3A_12 : i1 to i32
    %cond3A_14 = arith.constant 0 : i32
    %cond3A_15 = arith.cmpi ne, %convert_element_type3A_13, %cond3A_14 : i32
    scf.if %cond3A_15 {
      "tpu.region"() ({
        %run_scoped3A = tpu.sem_alloc : memref<!tpu.dma_semaphore, #tpu.memory_space<semaphore_mem>>
        %dma_start3A_169 = arith.constant 0 : i32
        %dma_start3A_170 = arith.constant 0 : i32
        %dma_start3A_171 = tpu.memref_slice %arg4[%add3A_4, %dma_start3A_169, %dma_start3A_170] : memref<2500x2x128xi32, #tpu.memory_space<hbm>> -> memref<79x2x128xi32, #tpu.memory_space<hbm>>
        %dma_start3A_172 = arith.constant 0 : i32
        %dma_start3A_173 = arith.constant 0 : i32
        %dma_start3A_174 = tpu.memref_slice %arg4[%add3A_4, %dma_start3A_172, %dma_start3A_173] : memref<2500x2x128xi32, #tpu.memory_space<hbm>> -> memref<79x2x128xi32, #tpu.memory_space<hbm>>
        tpu.enqueue_dma source(%dma_start3A_174 : memref<79x2x128xi32, #tpu.memory_space<hbm>>) target(%arg7 : memref<79x2x128xi32, #tpu.memory_space<vmem>>) target_semaphore(%run_scoped3A : memref<!tpu.dma_semaphore, #tpu.memory_space<semaphore_mem>>)
        %dma_wait3A_175 = arith.constant 0 : i32
        %dma_wait3A_176 = arith.constant 0 : i32
        %dma_wait3A_177 = tpu.memref_slice %arg4[%add3A_4, %dma_wait3A_175, %dma_wait3A_176] : memref<2500x2x128xi32, #tpu.memory_space<hbm>> -> memref<79x2x128xi32, #tpu.memory_space<hbm>>
        %dma_wait3A_178 = arith.constant 0 : i32
        %dma_wait3A_179 = arith.constant 0 : i32
        %dma_wait3A_180 = tpu.memref_slice %arg4[%add3A_4, %dma_wait3A_178, %dma_wait3A_179] : memref<2500x2x128xi32, #tpu.memory_space<hbm>> -> memref<79x2x128xi32, #tpu.memory_space<hbm>>
        tpu.wait_dma2 semaphore(%run_scoped3A : memref<!tpu.dma_semaphore, #tpu.memory_space<semaphore_mem>>) src(%dma_wait3A_180 : memref<79x2x128xi32, #tpu.memory_space<hbm>>) dst(%arg7 : memref<79x2x128xi32, #tpu.memory_space<vmem>>)
        tpu.yield
      }) : () -> ()
    } else {
    }
    %ge3A = arith.constant 4 : i32
    %ge3A_16 = arith.cmpi sge, %add3A, %ge3A : i32
    %convert_element_type3A_17 = arith.extui %ge3A_16 : i1 to i32
    %cond3A_18 = arith.constant 0 : i32
    %cond3A_19 = arith.cmpi ne, %convert_element_type3A_17, %cond3A_18 : i32
    scf.if %cond3A_19 {
      "tpu.region"() ({
        %run_scoped3A = tpu.sem_alloc : memref<!tpu.dma_semaphore, #tpu.memory_space<semaphore_mem>>
        %dma_start3A_169 = arith.constant 0 : i32
        %dma_start3A_170 = arith.constant 0 : i32
        %dma_start3A_171 = arith.constant 0 : i32
        %dma_start3A_172 = tpu.memref_slice %arg7[%dma_start3A_169, %dma_start3A_170, %dma_start3A_171] : memref<79x2x128xi32, #tpu.memory_space<vmem>> -> memref<78x2x128xi32, #tpu.memory_space<vmem>>
        %dma_start3A_173 = arith.constant 0 : i32
        %dma_start3A_174 = arith.constant 0 : i32
        %dma_start3A_175 = tpu.memref_slice %arg4[%add3A_4, %dma_start3A_173, %dma_start3A_174] : memref<2500x2x128xi32, #tpu.memory_space<hbm>> -> memref<78x2x128xi32, #tpu.memory_space<hbm>>
        %dma_start3A_176 = arith.constant 0 : i32
        %dma_start3A_177 = arith.constant 0 : i32
        %dma_start3A_178 = arith.constant 0 : i32
        %dma_start3A_179 = tpu.memref_slice %arg7[%dma_start3A_176, %dma_start3A_177, %dma_start3A_178] : memref<79x2x128xi32, #tpu.memory_space<vmem>> -> memref<78x2x128xi32, #tpu.memory_space<vmem>>
        %dma_start3A_180 = arith.constant 0 : i32
        %dma_start3A_181 = arith.constant 0 : i32
        %dma_start3A_182 = tpu.memref_slice %arg4[%add3A_4, %dma_start3A_180, %dma_start3A_181] : memref<2500x2x128xi32, #tpu.memory_space<hbm>> -> memref<78x2x128xi32, #tpu.memory_space<hbm>>
        tpu.enqueue_dma source(%dma_start3A_182 : memref<78x2x128xi32, #tpu.memory_space<hbm>>) target(%dma_start3A_179 : memref<78x2x128xi32, #tpu.memory_space<vmem>>) target_semaphore(%run_scoped3A : memref<!tpu.dma_semaphore, #tpu.memory_space<semaphore_mem>>)
        %dma_wait3A_183 = arith.constant 0 : i32
        %dma_wait3A_184 = arith.constant 0 : i32
        %dma_wait3A_185 = arith.constant 0 : i32
        %dma_wait3A_186 = tpu.memref_slice %arg7[%dma_wait3A_183, %dma_wait3A_184, %dma_wait3A_185] : memref<79x2x128xi32, #tpu.memory_space<vmem>> -> memref<78x2x128xi32, #tpu.memory_space<vmem>>
        %dma_wait3A_187 = arith.constant 0 : i32
        %dma_wait3A_188 = arith.constant 0 : i32
        %dma_wait3A_189 = tpu.memref_slice %arg4[%add3A_4, %dma_wait3A_187, %dma_wait3A_188] : memref<2500x2x128xi32, #tpu.memory_space<hbm>> -> memref<78x2x128xi32, #tpu.memory_space<hbm>>
        %dma_wait3A_190 = arith.constant 0 : i32
        %dma_wait3A_191 = arith.constant 0 : i32
        %dma_wait3A_192 = arith.constant 0 : i32
        %dma_wait3A_193 = tpu.memref_slice %arg7[%dma_wait3A_190, %dma_wait3A_191, %dma_wait3A_192] : memref<79x2x128xi32, #tpu.memory_space<vmem>> -> memref<78x2x128xi32, #tpu.memory_space<vmem>>
        %dma_wait3A_194 = arith.constant 0 : i32
        %dma_wait3A_195 = arith.constant 0 : i32
        %dma_wait3A_196 = tpu.memref_slice %arg4[%add3A_4, %dma_wait3A_194, %dma_wait3A_195] : memref<2500x2x128xi32, #tpu.memory_space<hbm>> -> memref<78x2x128xi32, #tpu.memory_space<hbm>>
        tpu.wait_dma2 semaphore(%run_scoped3A : memref<!tpu.dma_semaphore, #tpu.memory_space<semaphore_mem>>) src(%dma_wait3A_196 : memref<78x2x128xi32, #tpu.memory_space<hbm>>) dst(%dma_wait3A_193 : memref<78x2x128xi32, #tpu.memory_space<vmem>>)
        tpu.yield
      }) : () -> ()
    } else {
    }
    %barrier3A = arith.constant 0 : index
    tpu.barrier barrier_id(%barrier3A)
    %dma_start3A = arith.constant 0 : i32
    %dma_start3A_20 = arith.constant 0 : i32
    %dma_start3A_21 = arith.constant 0 : i32
    %dma_start3A_22 = arith.constant 0 : i32
    %dma_start3A_23 = arith.constant 0 : i32
    %dma_start3A_24 = tpu.memref_slice %arg8[%dma_start3A_21, %dma_start3A_22, %dma_start3A_23] : memref<6x128x16xf32, #tpu.memory_space<vmem>> -> memref<1x128x16xf32, #tpu.memory_space<vmem>>
    %dma_start3A_25 = tpu.memref_squeeze %dma_start3A_24 : memref<1x128x16xf32, #tpu.memory_space<vmem>> -> memref<128x16xf32, #tpu.memory_space<vmem>>
    %dma_start3A_26 = arith.constant 0 : i32
    %dma_start3A_27 = tpu.memref_slice %arg7[%dma_start3A, %dma_start3A_20, %dma_start3A_26] : memref<79x2x128xi32, #tpu.memory_space<vmem>> -> memref<1x1x128xi32, #tpu.memory_space<vmem>>
    %dma_start3A_28 = tpu.memref_squeeze %dma_start3A_27 : memref<1x1x128xi32, #tpu.memory_space<vmem>> -> memref<128xi32, #tpu.memory_space<vmem>>
    %dma_start3A_29 = arith.constant 0 : i32
    %dma_start3A_30 = arith.constant 0 : i32
    %dma_start3A_31 = tpu.memref_slice %arg2[%dma_start3A_29, %dma_start3A_30] : memref<10000x16xf32, #tpu.memory_space<hbm>> -> memref<10000x16xf32, #tpu.memory_space<hbm>>
    tpu.enqueue_indirect_dma source(%dma_start3A_31 : memref<10000x16xf32, #tpu.memory_space<hbm>>) target(%dma_start3A_25 : memref<128x16xf32, #tpu.memory_space<vmem>>) offsets(%dma_start3A_28 : memref<128xi32, #tpu.memory_space<vmem>>) semaphore(%arg10 : memref<!tpu.dma_semaphore, #tpu.memory_space<semaphore_mem>>)
    %dma_start3A_32 = arith.constant 1 : i32
    %dma_start3A_33 = arith.constant 0 : i32
    %dma_start3A_34 = arith.constant 1 : i32
    %dma_start3A_35 = arith.constant 0 : i32
    %dma_start3A_36 = arith.constant 0 : i32
    %dma_start3A_37 = tpu.memref_slice %arg8[%dma_start3A_34, %dma_start3A_35, %dma_start3A_36] : memref<6x128x16xf32, #tpu.memory_space<vmem>> -> memref<1x128x16xf32, #tpu.memory_space<vmem>>
    %dma_start3A_38 = tpu.memref_squeeze %dma_start3A_37 : memref<1x128x16xf32, #tpu.memory_space<vmem>> -> memref<128x16xf32, #tpu.memory_space<vmem>>
    %dma_start3A_39 = arith.constant 0 : i32
    %dma_start3A_40 = tpu.memref_slice %arg7[%dma_start3A_32, %dma_start3A_33, %dma_start3A_39] : memref<79x2x128xi32, #tpu.memory_space<vmem>> -> memref<1x1x128xi32, #tpu.memory_space<vmem>>
    %dma_start3A_41 = tpu.memref_squeeze %dma_start3A_40 : memref<1x1x128xi32, #tpu.memory_space<vmem>> -> memref<128xi32, #tpu.memory_space<vmem>>
    %dma_start3A_42 = arith.constant 0 : i32
    %dma_start3A_43 = arith.constant 0 : i32
    %dma_start3A_44 = tpu.memref_slice %arg2[%dma_start3A_42, %dma_start3A_43] : memref<10000x16xf32, #tpu.memory_space<hbm>> -> memref<10000x16xf32, #tpu.memory_space<hbm>>
    tpu.enqueue_indirect_dma source(%dma_start3A_44 : memref<10000x16xf32, #tpu.memory_space<hbm>>) target(%dma_start3A_38 : memref<128x16xf32, #tpu.memory_space<vmem>>) offsets(%dma_start3A_41 : memref<128xi32, #tpu.memory_space<vmem>>) semaphore(%arg11 : memref<!tpu.dma_semaphore, #tpu.memory_space<semaphore_mem>>)
    %dma_start3A_45 = arith.constant 2 : i32
    %dma_start3A_46 = arith.constant 0 : i32
    %dma_start3A_47 = arith.constant 2 : i32
    %dma_start3A_48 = arith.constant 0 : i32
    %dma_start3A_49 = arith.constant 0 : i32
    %dma_start3A_50 = tpu.memref_slice %arg8[%dma_start3A_47, %dma_start3A_48, %dma_start3A_49] : memref<6x128x16xf32, #tpu.memory_space<vmem>> -> memref<1x128x16xf32, #tpu.memory_space<vmem>>
    %dma_start3A_51 = tpu.memref_squeeze %dma_start3A_50 : memref<1x128x16xf32, #tpu.memory_space<vmem>> -> memref<128x16xf32, #tpu.memory_space<vmem>>
    %dma_start3A_52 = arith.constant 0 : i32
    %dma_start3A_53 = tpu.memref_slice %arg7[%dma_start3A_45, %dma_start3A_46, %dma_start3A_52] : memref<79x2x128xi32, #tpu.memory_space<vmem>> -> memref<1x1x128xi32, #tpu.memory_space<vmem>>
    %dma_start3A_54 = tpu.memref_squeeze %dma_start3A_53 : memref<1x1x128xi32, #tpu.memory_space<vmem>> -> memref<128xi32, #tpu.memory_space<vmem>>
    %dma_start3A_55 = arith.constant 0 : i32
    %dma_start3A_56 = arith.constant 0 : i32
    %dma_start3A_57 = tpu.memref_slice %arg2[%dma_start3A_55, %dma_start3A_56] : memref<10000x16xf32, #tpu.memory_space<hbm>> -> memref<10000x16xf32, #tpu.memory_space<hbm>>
    tpu.enqueue_indirect_dma source(%dma_start3A_57 : memref<10000x16xf32, #tpu.memory_space<hbm>>) target(%dma_start3A_51 : memref<128x16xf32, #tpu.memory_space<vmem>>) offsets(%dma_start3A_54 : memref<128xi32, #tpu.memory_space<vmem>>) semaphore(%arg12 : memref<!tpu.dma_semaphore, #tpu.memory_space<semaphore_mem>>)
    %dma_start3A_58 = arith.constant 3 : i32
    %dma_start3A_59 = arith.constant 0 : i32
    %dma_start3A_60 = arith.constant 3 : i32
    %dma_start3A_61 = arith.constant 0 : i32
    %dma_start3A_62 = arith.constant 0 : i32
    %dma_start3A_63 = tpu.memref_slice %arg8[%dma_start3A_60, %dma_start3A_61, %dma_start3A_62] : memref<6x128x16xf32, #tpu.memory_space<vmem>> -> memref<1x128x16xf32, #tpu.memory_space<vmem>>
    %dma_start3A_64 = tpu.memref_squeeze %dma_start3A_63 : memref<1x128x16xf32, #tpu.memory_space<vmem>> -> memref<128x16xf32, #tpu.memory_space<vmem>>
    %dma_start3A_65 = arith.constant 0 : i32
    %dma_start3A_66 = tpu.memref_slice %arg7[%dma_start3A_58, %dma_start3A_59, %dma_start3A_65] : memref<79x2x128xi32, #tpu.memory_space<vmem>> -> memref<1x1x128xi32, #tpu.memory_space<vmem>>
    %dma_start3A_67 = tpu.memref_squeeze %dma_start3A_66 : memref<1x1x128xi32, #tpu.memory_space<vmem>> -> memref<128xi32, #tpu.memory_space<vmem>>
    %dma_start3A_68 = arith.constant 0 : i32
    %dma_start3A_69 = arith.constant 0 : i32
    %dma_start3A_70 = tpu.memref_slice %arg2[%dma_start3A_68, %dma_start3A_69] : memref<10000x16xf32, #tpu.memory_space<hbm>> -> memref<10000x16xf32, #tpu.memory_space<hbm>>
    tpu.enqueue_indirect_dma source(%dma_start3A_70 : memref<10000x16xf32, #tpu.memory_space<hbm>>) target(%dma_start3A_64 : memref<128x16xf32, #tpu.memory_space<vmem>>) offsets(%dma_start3A_67 : memref<128xi32, #tpu.memory_space<vmem>>) semaphore(%arg13 : memref<!tpu.dma_semaphore, #tpu.memory_space<semaphore_mem>>)
    %scan3A = arith.constant 0 : i32
    %scan3A_71 = arith.constant 0 : i32
    %scan3A_72 = arith.constant 13 : i32
    %scan3A_73 = arith.addi %scan3A_71, %scan3A_72 : i32
    %scan3A_74 = arith.constant 1 : i32
    scf.for %scan3A_169 = %scan3A_71 to %scan3A_73 step %scan3A_74  : i32 {
      %mul3A_170 = arith.constant 6 : i32
      %mul3A_171 = arith.muli %scan3A_169, %mul3A_170 : i32
      %add3A_172 = arith.constant 0 : i32
      %add3A_173 = arith.addi %mul3A_171, %add3A_172 : i32
      %dma_wait3A_174 = arith.constant 0 : i32
      %dma_wait3A_175 = arith.constant 0 : i32
      %dma_wait3A_176 = arith.constant 0 : i32
      %dma_wait3A_177 = arith.constant 0 : i32
      %dma_wait3A_178 = tpu.memref_slice %arg8[%dma_wait3A_175, %dma_wait3A_176, %dma_wait3A_177] : memref<6x128x16xf32, #tpu.memory_space<vmem>> -> memref<1x128x16xf32, #tpu.memory_space<vmem>>
      %dma_wait3A_179 = tpu.memref_squeeze %dma_wait3A_178 : memref<1x128x16xf32, #tpu.memory_space<vmem>> -> memref<128x16xf32, #tpu.memory_space<vmem>>
      %dma_wait3A_180 = arith.constant 0 : i32
      %dma_wait3A_181 = tpu.memref_slice %arg7[%add3A_173, %dma_wait3A_174, %dma_wait3A_180] : memref<79x2x128xi32, #tpu.memory_space<vmem>> -> memref<1x1x128xi32, #tpu.memory_space<vmem>>
      %dma_wait3A_182 = tpu.memref_squeeze %dma_wait3A_181 : memref<1x1x128xi32, #tpu.memory_space<vmem>> -> memref<128xi32, #tpu.memory_space<vmem>>
      %dma_wait3A_183 = arith.constant 0 : i32
      %dma_wait3A_184 = arith.constant 0 : i32
      %dma_wait3A_185 = tpu.memref_slice %arg2[%dma_wait3A_183, %dma_wait3A_184] : memref<10000x16xf32, #tpu.memory_space<hbm>> -> memref<10000x16xf32, #tpu.memory_space<hbm>>
      tpu.wait_indirect_dma semaphore(%arg10 : memref<!tpu.dma_semaphore, #tpu.memory_space<semaphore_mem>>) src(%dma_wait3A_185 : memref<10000x16xf32, #tpu.memory_space<hbm>>) dst(%dma_wait3A_179 : memref<128x16xf32, #tpu.memory_space<vmem>>)
      %dma_start3A_186 = arith.constant 0 : i32
      %dma_start3A_187 = arith.constant 1 : i32
      %dma_start3A_188 = arith.constant 0 : i32
      %dma_start3A_189 = arith.constant 0 : i32
      %dma_start3A_190 = tpu.memref_slice %arg8[%dma_start3A_186, %dma_start3A_188, %dma_start3A_189] : memref<6x128x16xf32, #tpu.memory_space<vmem>> -> memref<1x128x16xf32, #tpu.memory_space<vmem>>
      %dma_start3A_191 = tpu.memref_squeeze %dma_start3A_190 : memref<1x128x16xf32, #tpu.memory_space<vmem>> -> memref<128x16xf32, #tpu.memory_space<vmem>>
      %dma_start3A_192 = arith.constant 0 : i32
      %dma_start3A_193 = tpu.memref_slice %arg7[%add3A_173, %dma_start3A_187, %dma_start3A_192] : memref<79x2x128xi32, #tpu.memory_space<vmem>> -> memref<1x1x128xi32, #tpu.memory_space<vmem>>
      %dma_start3A_194 = tpu.memref_squeeze %dma_start3A_193 : memref<1x1x128xi32, #tpu.memory_space<vmem>> -> memref<128xi32, #tpu.memory_space<vmem>>
      %dma_start3A_195 = arith.constant 0 : i32
      %dma_start3A_196 = arith.constant 0 : i32
      %dma_start3A_197 = tpu.memref_slice %arg9[%dma_start3A_195, %dma_start3A_196] : memref<10112x16xf32, #tpu.memory_space<vmem_shared>> -> memref<10112x16xf32, #tpu.memory_space<vmem_shared>>
      tpu.enqueue_indirect_dma source(%dma_start3A_191 : memref<128x16xf32, #tpu.memory_space<vmem>>) target(%dma_start3A_197 : memref<10112x16xf32, #tpu.memory_space<vmem_shared>>) offsets(%dma_start3A_194 : memref<128xi32, #tpu.memory_space<vmem>>) semaphore(%arg16 : memref<!tpu.dma_semaphore, #tpu.memory_space<semaphore_mem>>) {add = true}
      %add3A_198 = arith.constant 4 : i32
      %add3A_199 = arith.addi %add3A_173, %add3A_198 : i32
      %lt3A_200 = arith.constant 78 : i32
      %lt3A_201 = arith.cmpi slt, %add3A_199, %lt3A_200 : i32
      %convert_element_type3A_202 = arith.extui %lt3A_201 : i1 to i32
      %cond3A_203 = arith.constant 0 : i32
      %cond3A_204 = arith.cmpi ne, %convert_element_type3A_202, %cond3A_203 : i32
      scf.if %cond3A_204 {
        %ge3A_370 = arith.constant 6 : i32
        %ge3A_371 = arith.cmpi sge, %add3A_199, %ge3A_370 : i32
        %convert_element_type3A_372 = arith.extui %ge3A_371 : i1 to i32
        %cond3A_373 = arith.constant 0 : i32
        %cond3A_374 = arith.cmpi ne, %convert_element_type3A_372, %cond3A_373 : i32
        scf.if %cond3A_374 {
          %sub3A = arith.constant 6 : i32
          %sub3A_387 = arith.subi %add3A_199, %sub3A : i32
          %dma_wait3A_388 = arith.constant 4 : i32
          %dma_wait3A_389 = arith.constant 1 : i32
          %dma_wait3A_390 = arith.constant 0 : i32
          %dma_wait3A_391 = arith.constant 0 : i32
          %dma_wait3A_392 = tpu.memref_slice %arg8[%dma_wait3A_388, %dma_wait3A_390, %dma_wait3A_391] : memref<6x128x16xf32, #tpu.memory_space<vmem>> -> memref<1x128x16xf32, #tpu.memory_space<vmem>>
          %dma_wait3A_393 = tpu.memref_squeeze %dma_wait3A_392 : memref<1x128x16xf32, #tpu.memory_space<vmem>> -> memref<128x16xf32, #tpu.memory_space<vmem>>
          %dma_wait3A_394 = arith.constant 0 : i32
          %dma_wait3A_395 = tpu.memref_slice %arg7[%sub3A_387, %dma_wait3A_389, %dma_wait3A_394] : memref<79x2x128xi32, #tpu.memory_space<vmem>> -> memref<1x1x128xi32, #tpu.memory_space<vmem>>
          %dma_wait3A_396 = tpu.memref_squeeze %dma_wait3A_395 : memref<1x1x128xi32, #tpu.memory_space<vmem>> -> memref<128xi32, #tpu.memory_space<vmem>>
          %dma_wait3A_397 = arith.constant 0 : i32
          %dma_wait3A_398 = arith.constant 0 : i32
          %dma_wait3A_399 = tpu.memref_slice %arg9[%dma_wait3A_397, %dma_wait3A_398] : memref<10112x16xf32, #tpu.memory_space<vmem_shared>> -> memref<10112x16xf32, #tpu.memory_space<vmem_shared>>
          tpu.wait_indirect_dma semaphore(%arg20 : memref<!tpu.dma_semaphore, #tpu.memory_space<semaphore_mem>>) src(%dma_wait3A_393 : memref<128x16xf32, #tpu.memory_space<vmem>>) dst(%dma_wait3A_399 : memref<10112x16xf32, #tpu.memory_space<vmem_shared>>)
        } else {
        }
        %dma_start3A_375 = arith.constant 0 : i32
        %dma_start3A_376 = arith.constant 4 : i32
        %dma_start3A_377 = arith.constant 0 : i32
        %dma_start3A_378 = arith.constant 0 : i32
        %dma_start3A_379 = tpu.memref_slice %arg8[%dma_start3A_376, %dma_start3A_377, %dma_start3A_378] : memref<6x128x16xf32, #tpu.memory_space<vmem>> -> memref<1x128x16xf32, #tpu.memory_space<vmem>>
        %dma_start3A_380 = tpu.memref_squeeze %dma_start3A_379 : memref<1x128x16xf32, #tpu.memory_space<vmem>> -> memref<128x16xf32, #tpu.memory_space<vmem>>
        %dma_start3A_381 = arith.constant 0 : i32
        %dma_start3A_382 = tpu.memref_slice %arg7[%add3A_199, %dma_start3A_375, %dma_start3A_381] : memref<79x2x128xi32, #tpu.memory_space<vmem>> -> memref<1x1x128xi32, #tpu.memory_space<vmem>>
        %dma_start3A_383 = tpu.memref_squeeze %dma_start3A_382 : memref<1x1x128xi32, #tpu.memory_space<vmem>> -> memref<128xi32, #tpu.memory_space<vmem>>
        %dma_start3A_384 = arith.constant 0 : i32
        %dma_start3A_385 = arith.constant 0 : i32
        %dma_start3A_386 = tpu.memref_slice %arg2[%dma_start3A_384, %dma_start3A_385] : memref<10000x16xf32, #tpu.memory_space<hbm>> -> memref<10000x16xf32, #tpu.memory_space<hbm>>
        tpu.enqueue_indirect_dma source(%dma_start3A_386 : memref<10000x16xf32, #tpu.memory_space<hbm>>) target(%dma_start3A_380 : memref<128x16xf32, #tpu.memory_space<vmem>>) offsets(%dma_start3A_383 : memref<128xi32, #tpu.memory_space<vmem>>) semaphore(%arg14 : memref<!tpu.dma_semaphore, #tpu.memory_space<semaphore_mem>>)
      } else {
      }
      %add3A_205 = arith.constant 1 : i32
      %add3A_206 = arith.addi %mul3A_171, %add3A_205 : i32
      %dma_wait3A_207 = arith.constant 0 : i32
      %dma_wait3A_208 = arith.constant 1 : i32
      %dma_wait3A_209 = arith.constant 0 : i32
      %dma_wait3A_210 = arith.constant 0 : i32
      %dma_wait3A_211 = tpu.memref_slice %arg8[%dma_wait3A_208, %dma_wait3A_209, %dma_wait3A_210] : memref<6x128x16xf32, #tpu.memory_space<vmem>> -> memref<1x128x16xf32, #tpu.memory_space<vmem>>
      %dma_wait3A_212 = tpu.memref_squeeze %dma_wait3A_211 : memref<1x128x16xf32, #tpu.memory_space<vmem>> -> memref<128x16xf32, #tpu.memory_space<vmem>>
      %dma_wait3A_213 = arith.constant 0 : i32
      %dma_wait3A_214 = tpu.memref_slice %arg7[%add3A_206, %dma_wait3A_207, %dma_wait3A_213] : memref<79x2x128xi32, #tpu.memory_space<vmem>> -> memref<1x1x128xi32, #tpu.memory_space<vmem>>
      %dma_wait3A_215 = tpu.memref_squeeze %dma_wait3A_214 : memref<1x1x128xi32, #tpu.memory_space<vmem>> -> memref<128xi32, #tpu.memory_space<vmem>>
      %dma_wait3A_216 = arith.constant 0 : i32
      %dma_wait3A_217 = arith.constant 0 : i32
      %dma_wait3A_218 = tpu.memref_slice %arg2[%dma_wait3A_216, %dma_wait3A_217] : memref<10000x16xf32, #tpu.memory_space<hbm>> -> memref<10000x16xf32, #tpu.memory_space<hbm>>
      tpu.wait_indirect_dma semaphore(%arg11 : memref<!tpu.dma_semaphore, #tpu.memory_space<semaphore_mem>>) src(%dma_wait3A_218 : memref<10000x16xf32, #tpu.memory_space<hbm>>) dst(%dma_wait3A_212 : memref<128x16xf32, #tpu.memory_space<vmem>>)
      %dma_start3A_219 = arith.constant 1 : i32
      %dma_start3A_220 = arith.constant 1 : i32
      %dma_start3A_221 = arith.constant 0 : i32
      %dma_start3A_222 = arith.constant 0 : i32
      %dma_start3A_223 = tpu.memref_slice %arg8[%dma_start3A_219, %dma_start3A_221, %dma_start3A_222] : memref<6x128x16xf32, #tpu.memory_space<vmem>> -> memref<1x128x16xf32, #tpu.memory_space<vmem>>
      %dma_start3A_224 = tpu.memref_squeeze %dma_start3A_223 : memref<1x128x16xf32, #tpu.memory_space<vmem>> -> memref<128x16xf32, #tpu.memory_space<vmem>>
      %dma_start3A_225 = arith.constant 0 : i32
      %dma_start3A_226 = tpu.memref_slice %arg7[%add3A_206, %dma_start3A_220, %dma_start3A_225] : memref<79x2x128xi32, #tpu.memory_space<vmem>> -> memref<1x1x128xi32, #tpu.memory_space<vmem>>
      %dma_start3A_227 = tpu.memref_squeeze %dma_start3A_226 : memref<1x1x128xi32, #tpu.memory_space<vmem>> -> memref<128xi32, #tpu.memory_space<vmem>>
      %dma_start3A_228 = arith.constant 0 : i32
      %dma_start3A_229 = arith.constant 0 : i32
      %dma_start3A_230 = tpu.memref_slice %arg9[%dma_start3A_228, %dma_start3A_229] : memref<10112x16xf32, #tpu.memory_space<vmem_shared>> -> memref<10112x16xf32, #tpu.memory_space<vmem_shared>>
      tpu.enqueue_indirect_dma source(%dma_start3A_224 : memref<128x16xf32, #tpu.memory_space<vmem>>) target(%dma_start3A_230 : memref<10112x16xf32, #tpu.memory_space<vmem_shared>>) offsets(%dma_start3A_227 : memref<128xi32, #tpu.memory_space<vmem>>) semaphore(%arg17 : memref<!tpu.dma_semaphore, #tpu.memory_space<semaphore_mem>>) {add = true}
      %add3A_231 = arith.constant 4 : i32
      %add3A_232 = arith.addi %add3A_206, %add3A_231 : i32
      %lt3A_233 = arith.constant 78 : i32
      %lt3A_234 = arith.cmpi slt, %add3A_232, %lt3A_233 : i32
      %convert_element_type3A_235 = arith.extui %lt3A_234 : i1 to i32
      %cond3A_236 = arith.constant 0 : i32
      %cond3A_237 = arith.cmpi ne, %convert_element_type3A_235, %cond3A_236 : i32
      scf.if %cond3A_237 {
        %ge3A_370 = arith.constant 6 : i32
        %ge3A_371 = arith.cmpi sge, %add3A_232, %ge3A_370 : i32
        %convert_element_type3A_372 = arith.extui %ge3A_371 : i1 to i32
        %cond3A_373 = arith.constant 0 : i32
        %cond3A_374 = arith.cmpi ne, %convert_element_type3A_372, %cond3A_373 : i32
        scf.if %cond3A_374 {
          %sub3A = arith.constant 6 : i32
          %sub3A_387 = arith.subi %add3A_232, %sub3A : i32
          %dma_wait3A_388 = arith.constant 5 : i32
          %dma_wait3A_389 = arith.constant 1 : i32
          %dma_wait3A_390 = arith.constant 0 : i32
          %dma_wait3A_391 = arith.constant 0 : i32
          %dma_wait3A_392 = tpu.memref_slice %arg8[%dma_wait3A_388, %dma_wait3A_390, %dma_wait3A_391] : memref<6x128x16xf32, #tpu.memory_space<vmem>> -> memref<1x128x16xf32, #tpu.memory_space<vmem>>
          %dma_wait3A_393 = tpu.memref_squeeze %dma_wait3A_392 : memref<1x128x16xf32, #tpu.memory_space<vmem>> -> memref<128x16xf32, #tpu.memory_space<vmem>>
          %dma_wait3A_394 = arith.constant 0 : i32
          %dma_wait3A_395 = tpu.memref_slice %arg7[%sub3A_387, %dma_wait3A_389, %dma_wait3A_394] : memref<79x2x128xi32, #tpu.memory_space<vmem>> -> memref<1x1x128xi32, #tpu.memory_space<vmem>>
          %dma_wait3A_396 = tpu.memref_squeeze %dma_wait3A_395 : memref<1x1x128xi32, #tpu.memory_space<vmem>> -> memref<128xi32, #tpu.memory_space<vmem>>
          %dma_wait3A_397 = arith.constant 0 : i32
          %dma_wait3A_398 = arith.constant 0 : i32
          %dma_wait3A_399 = tpu.memref_slice %arg9[%dma_wait3A_397, %dma_wait3A_398] : memref<10112x16xf32, #tpu.memory_space<vmem_shared>> -> memref<10112x16xf32, #tpu.memory_space<vmem_shared>>
          tpu.wait_indirect_dma semaphore(%arg21 : memref<!tpu.dma_semaphore, #tpu.memory_space<semaphore_mem>>) src(%dma_wait3A_393 : memref<128x16xf32, #tpu.memory_space<vmem>>) dst(%dma_wait3A_399 : memref<10112x16xf32, #tpu.memory_space<vmem_shared>>)
        } else {
        }
        %dma_start3A_375 = arith.constant 0 : i32
        %dma_start3A_376 = arith.constant 5 : i32
        %dma_start3A_377 = arith.constant 0 : i32
        %dma_start3A_378 = arith.constant 0 : i32
        %dma_start3A_379 = tpu.memref_slice %arg8[%dma_start3A_376, %dma_start3A_377, %dma_start3A_378] : memref<6x128x16xf32, #tpu.memory_space<vmem>> -> memref<1x128x16xf32, #tpu.memory_space<vmem>>
        %dma_start3A_380 = tpu.memref_squeeze %dma_start3A_379 : memref<1x128x16xf32, #tpu.memory_space<vmem>> -> memref<128x16xf32, #tpu.memory_space<vmem>>
        %dma_start3A_381 = arith.constant 0 : i32
        %dma_start3A_382 = tpu.memref_slice %arg7[%add3A_232, %dma_start3A_375, %dma_start3A_381] : memref<79x2x128xi32, #tpu.memory_space<vmem>> -> memref<1x1x128xi32, #tpu.memory_space<vmem>>
        %dma_start3A_383 = tpu.memref_squeeze %dma_start3A_382 : memref<1x1x128xi32, #tpu.memory_space<vmem>> -> memref<128xi32, #tpu.memory_space<vmem>>
        %dma_start3A_384 = arith.constant 0 : i32
        %dma_start3A_385 = arith.constant 0 : i32
        %dma_start3A_386 = tpu.memref_slice %arg2[%dma_start3A_384, %dma_start3A_385] : memref<10000x16xf32, #tpu.memory_space<hbm>> -> memref<10000x16xf32, #tpu.memory_space<hbm>>
        tpu.enqueue_indirect_dma source(%dma_start3A_386 : memref<10000x16xf32, #tpu.memory_space<hbm>>) target(%dma_start3A_380 : memref<128x16xf32, #tpu.memory_space<vmem>>) offsets(%dma_start3A_383 : memref<128xi32, #tpu.memory_space<vmem>>) semaphore(%arg15 : memref<!tpu.dma_semaphore, #tpu.memory_space<semaphore_mem>>)
      } else {
      }
      %add3A_238 = arith.constant 2 : i32
      %add3A_239 = arith.addi %mul3A_171, %add3A_238 : i32
      %dma_wait3A_240 = arith.constant 0 : i32
      %dma_wait3A_241 = arith.constant 2 : i32
      %dma_wait3A_242 = arith.constant 0 : i32
      %dma_wait3A_243 = arith.constant 0 : i32
      %dma_wait3A_244 = tpu.memref_slice %arg8[%dma_wait3A_241, %dma_wait3A_242, %dma_wait3A_243] : memref<6x128x16xf32, #tpu.memory_space<vmem>> -> memref<1x128x16xf32, #tpu.memory_space<vmem>>
      %dma_wait3A_245 = tpu.memref_squeeze %dma_wait3A_244 : memref<1x128x16xf32, #tpu.memory_space<vmem>> -> memref<128x16xf32, #tpu.memory_space<vmem>>
      %dma_wait3A_246 = arith.constant 0 : i32
      %dma_wait3A_247 = tpu.memref_slice %arg7[%add3A_239, %dma_wait3A_240, %dma_wait3A_246] : memref<79x2x128xi32, #tpu.memory_space<vmem>> -> memref<1x1x128xi32, #tpu.memory_space<vmem>>
      %dma_wait3A_248 = tpu.memref_squeeze %dma_wait3A_247 : memref<1x1x128xi32, #tpu.memory_space<vmem>> -> memref<128xi32, #tpu.memory_space<vmem>>
      %dma_wait3A_249 = arith.constant 0 : i32
      %dma_wait3A_250 = arith.constant 0 : i32
      %dma_wait3A_251 = tpu.memref_slice %arg2[%dma_wait3A_249, %dma_wait3A_250] : memref<10000x16xf32, #tpu.memory_space<hbm>> -> memref<10000x16xf32, #tpu.memory_space<hbm>>
      tpu.wait_indirect_dma semaphore(%arg12 : memref<!tpu.dma_semaphore, #tpu.memory_space<semaphore_mem>>) src(%dma_wait3A_251 : memref<10000x16xf32, #tpu.memory_space<hbm>>) dst(%dma_wait3A_245 : memref<128x16xf32, #tpu.memory_space<vmem>>)
      %dma_start3A_252 = arith.constant 2 : i32
      %dma_start3A_253 = arith.constant 1 : i32
      %dma_start3A_254 = arith.constant 0 : i32
      %dma_start3A_255 = arith.constant 0 : i32
      %dma_start3A_256 = tpu.memref_slice %arg8[%dma_start3A_252, %dma_start3A_254, %dma_start3A_255] : memref<6x128x16xf32, #tpu.memory_space<vmem>> -> memref<1x128x16xf32, #tpu.memory_space<vmem>>
      %dma_start3A_257 = tpu.memref_squeeze %dma_start3A_256 : memref<1x128x16xf32, #tpu.memory_space<vmem>> -> memref<128x16xf32, #tpu.memory_space<vmem>>
      %dma_start3A_258 = arith.constant 0 : i32
      %dma_start3A_259 = tpu.memref_slice %arg7[%add3A_239, %dma_start3A_253, %dma_start3A_258] : memref<79x2x128xi32, #tpu.memory_space<vmem>> -> memref<1x1x128xi32, #tpu.memory_space<vmem>>
      %dma_start3A_260 = tpu.memref_squeeze %dma_start3A_259 : memref<1x1x128xi32, #tpu.memory_space<vmem>> -> memref<128xi32, #tpu.memory_space<vmem>>
      %dma_start3A_261 = arith.constant 0 : i32
      %dma_start3A_262 = arith.constant 0 : i32
      %dma_start3A_263 = tpu.memref_slice %arg9[%dma_start3A_261, %dma_start3A_262] : memref<10112x16xf32, #tpu.memory_space<vmem_shared>> -> memref<10112x16xf32, #tpu.memory_space<vmem_shared>>
      tpu.enqueue_indirect_dma source(%dma_start3A_257 : memref<128x16xf32, #tpu.memory_space<vmem>>) target(%dma_start3A_263 : memref<10112x16xf32, #tpu.memory_space<vmem_shared>>) offsets(%dma_start3A_260 : memref<128xi32, #tpu.memory_space<vmem>>) semaphore(%arg18 : memref<!tpu.dma_semaphore, #tpu.memory_space<semaphore_mem>>) {add = true}
      %add3A_264 = arith.constant 4 : i32
      %add3A_265 = arith.addi %add3A_239, %add3A_264 : i32
      %lt3A_266 = arith.constant 78 : i32
      %lt3A_267 = arith.cmpi slt, %add3A_265, %lt3A_266 : i32
      %convert_element_type3A_268 = arith.extui %lt3A_267 : i1 to i32
      %cond3A_269 = arith.constant 0 : i32
      %cond3A_270 = arith.cmpi ne, %convert_element_type3A_268, %cond3A_269 : i32
      scf.if %cond3A_270 {
        %ge3A_370 = arith.constant 6 : i32
        %ge3A_371 = arith.cmpi sge, %add3A_265, %ge3A_370 : i32
        %convert_element_type3A_372 = arith.extui %ge3A_371 : i1 to i32
        %cond3A_373 = arith.constant 0 : i32
        %cond3A_374 = arith.cmpi ne, %convert_element_type3A_372, %cond3A_373 : i32
        scf.if %cond3A_374 {
          %sub3A = arith.constant 6 : i32
          %sub3A_387 = arith.subi %add3A_265, %sub3A : i32
          %dma_wait3A_388 = arith.constant 0 : i32
          %dma_wait3A_389 = arith.constant 1 : i32
          %dma_wait3A_390 = arith.constant 0 : i32
          %dma_wait3A_391 = arith.constant 0 : i32
          %dma_wait3A_392 = tpu.memref_slice %arg8[%dma_wait3A_388, %dma_wait3A_390, %dma_wait3A_391] : memref<6x128x16xf32, #tpu.memory_space<vmem>> -> memref<1x128x16xf32, #tpu.memory_space<vmem>>
          %dma_wait3A_393 = tpu.memref_squeeze %dma_wait3A_392 : memref<1x128x16xf32, #tpu.memory_space<vmem>> -> memref<128x16xf32, #tpu.memory_space<vmem>>
          %dma_wait3A_394 = arith.constant 0 : i32
          %dma_wait3A_395 = tpu.memref_slice %arg7[%sub3A_387, %dma_wait3A_389, %dma_wait3A_394] : memref<79x2x128xi32, #tpu.memory_space<vmem>> -> memref<1x1x128xi32, #tpu.memory_space<vmem>>
          %dma_wait3A_396 = tpu.memref_squeeze %dma_wait3A_395 : memref<1x1x128xi32, #tpu.memory_space<vmem>> -> memref<128xi32, #tpu.memory_space<vmem>>
          %dma_wait3A_397 = arith.constant 0 : i32
          %dma_wait3A_398 = arith.constant 0 : i32
          %dma_wait3A_399 = tpu.memref_slice %arg9[%dma_wait3A_397, %dma_wait3A_398] : memref<10112x16xf32, #tpu.memory_space<vmem_shared>> -> memref<10112x16xf32, #tpu.memory_space<vmem_shared>>
          tpu.wait_indirect_dma semaphore(%arg16 : memref<!tpu.dma_semaphore, #tpu.memory_space<semaphore_mem>>) src(%dma_wait3A_393 : memref<128x16xf32, #tpu.memory_space<vmem>>) dst(%dma_wait3A_399 : memref<10112x16xf32, #tpu.memory_space<vmem_shared>>)
        } else {
        }
        %dma_start3A_375 = arith.constant 0 : i32
        %dma_start3A_376 = arith.constant 0 : i32
        %dma_start3A_377 = arith.constant 0 : i32
        %dma_start3A_378 = arith.constant 0 : i32
        %dma_start3A_379 = tpu.memref_slice %arg8[%dma_start3A_376, %dma_start3A_377, %dma_start3A_378] : memref<6x128x16xf32, #tpu.memory_space<vmem>> -> memref<1x128x16xf32, #tpu.memory_space<vmem>>
        %dma_start3A_380 = tpu.memref_squeeze %dma_start3A_379 : memref<1x128x16xf32, #tpu.memory_space<vmem>> -> memref<128x16xf32, #tpu.memory_space<vmem>>
        %dma_start3A_381 = arith.constant 0 : i32
        %dma_start3A_382 = tpu.memref_slice %arg7[%add3A_265, %dma_start3A_375, %dma_start3A_381] : memref<79x2x128xi32, #tpu.memory_space<vmem>> -> memref<1x1x128xi32, #tpu.memory_space<vmem>>
        %dma_start3A_383 = tpu.memref_squeeze %dma_start3A_382 : memref<1x1x128xi32, #tpu.memory_space<vmem>> -> memref<128xi32, #tpu.memory_space<vmem>>
        %dma_start3A_384 = arith.constant 0 : i32
        %dma_start3A_385 = arith.constant 0 : i32
        %dma_start3A_386 = tpu.memref_slice %arg2[%dma_start3A_384, %dma_start3A_385] : memref<10000x16xf32, #tpu.memory_space<hbm>> -> memref<10000x16xf32, #tpu.memory_space<hbm>>
        tpu.enqueue_indirect_dma source(%dma_start3A_386 : memref<10000x16xf32, #tpu.memory_space<hbm>>) target(%dma_start3A_380 : memref<128x16xf32, #tpu.memory_space<vmem>>) offsets(%dma_start3A_383 : memref<128xi32, #tpu.memory_space<vmem>>) semaphore(%arg10 : memref<!tpu.dma_semaphore, #tpu.memory_space<semaphore_mem>>)
      } else {
      }
      %add3A_271 = arith.constant 3 : i32
      %add3A_272 = arith.addi %mul3A_171, %add3A_271 : i32
      %dma_wait3A_273 = arith.constant 0 : i32
      %dma_wait3A_274 = arith.constant 3 : i32
      %dma_wait3A_275 = arith.constant 0 : i32
      %dma_wait3A_276 = arith.constant 0 : i32
      %dma_wait3A_277 = tpu.memref_slice %arg8[%dma_wait3A_274, %dma_wait3A_275, %dma_wait3A_276] : memref<6x128x16xf32, #tpu.memory_space<vmem>> -> memref<1x128x16xf32, #tpu.memory_space<vmem>>
      %dma_wait3A_278 = tpu.memref_squeeze %dma_wait3A_277 : memref<1x128x16xf32, #tpu.memory_space<vmem>> -> memref<128x16xf32, #tpu.memory_space<vmem>>
      %dma_wait3A_279 = arith.constant 0 : i32
      %dma_wait3A_280 = tpu.memref_slice %arg7[%add3A_272, %dma_wait3A_273, %dma_wait3A_279] : memref<79x2x128xi32, #tpu.memory_space<vmem>> -> memref<1x1x128xi32, #tpu.memory_space<vmem>>
      %dma_wait3A_281 = tpu.memref_squeeze %dma_wait3A_280 : memref<1x1x128xi32, #tpu.memory_space<vmem>> -> memref<128xi32, #tpu.memory_space<vmem>>
      %dma_wait3A_282 = arith.constant 0 : i32
      %dma_wait3A_283 = arith.constant 0 : i32
      %dma_wait3A_284 = tpu.memref_slice %arg2[%dma_wait3A_282, %dma_wait3A_283] : memref<10000x16xf32, #tpu.memory_space<hbm>> -> memref<10000x16xf32, #tpu.memory_space<hbm>>
      tpu.wait_indirect_dma semaphore(%arg13 : memref<!tpu.dma_semaphore, #tpu.memory_space<semaphore_mem>>) src(%dma_wait3A_284 : memref<10000x16xf32, #tpu.memory_space<hbm>>) dst(%dma_wait3A_278 : memref<128x16xf32, #tpu.memory_space<vmem>>)
      %dma_start3A_285 = arith.constant 3 : i32
      %dma_start3A_286 = arith.constant 1 : i32
      %dma_start3A_287 = arith.constant 0 : i32
      %dma_start3A_288 = arith.constant 0 : i32
      %dma_start3A_289 = tpu.memref_slice %arg8[%dma_start3A_285, %dma_start3A_287, %dma_start3A_288] : memref<6x128x16xf32, #tpu.memory_space<vmem>> -> memref<1x128x16xf32, #tpu.memory_space<vmem>>
      %dma_start3A_290 = tpu.memref_squeeze %dma_start3A_289 : memref<1x128x16xf32, #tpu.memory_space<vmem>> -> memref<128x16xf32, #tpu.memory_space<vmem>>
      %dma_start3A_291 = arith.constant 0 : i32
      %dma_start3A_292 = tpu.memref_slice %arg7[%add3A_272, %dma_start3A_286, %dma_start3A_291] : memref<79x2x128xi32, #tpu.memory_space<vmem>> -> memref<1x1x128xi32, #tpu.memory_space<vmem>>
      %dma_start3A_293 = tpu.memref_squeeze %dma_start3A_292 : memref<1x1x128xi32, #tpu.memory_space<vmem>> -> memref<128xi32, #tpu.memory_space<vmem>>
      %dma_start3A_294 = arith.constant 0 : i32
      %dma_start3A_295 = arith.constant 0 : i32
      %dma_start3A_296 = tpu.memref_slice %arg9[%dma_start3A_294, %dma_start3A_295] : memref<10112x16xf32, #tpu.memory_space<vmem_shared>> -> memref<10112x16xf32, #tpu.memory_space<vmem_shared>>
      tpu.enqueue_indirect_dma source(%dma_start3A_290 : memref<128x16xf32, #tpu.memory_space<vmem>>) target(%dma_start3A_296 : memref<10112x16xf32, #tpu.memory_space<vmem_shared>>) offsets(%dma_start3A_293 : memref<128xi32, #tpu.memory_space<vmem>>) semaphore(%arg19 : memref<!tpu.dma_semaphore, #tpu.memory_space<semaphore_mem>>) {add = true}
      %add3A_297 = arith.constant 4 : i32
      %add3A_298 = arith.addi %add3A_272, %add3A_297 : i32
      %lt3A_299 = arith.constant 78 : i32
      %lt3A_300 = arith.cmpi slt, %add3A_298, %lt3A_299 : i32
      %convert_element_type3A_301 = arith.extui %lt3A_300 : i1 to i32
      %cond3A_302 = arith.constant 0 : i32
      %cond3A_303 = arith.cmpi ne, %convert_element_type3A_301, %cond3A_302 : i32
      scf.if %cond3A_303 {
        %ge3A_370 = arith.constant 6 : i32
        %ge3A_371 = arith.cmpi sge, %add3A_298, %ge3A_370 : i32
        %convert_element_type3A_372 = arith.extui %ge3A_371 : i1 to i32
        %cond3A_373 = arith.constant 0 : i32
        %cond3A_374 = arith.cmpi ne, %convert_element_type3A_372, %cond3A_373 : i32
        scf.if %cond3A_374 {
          %sub3A = arith.constant 6 : i32
          %sub3A_387 = arith.subi %add3A_298, %sub3A : i32
          %dma_wait3A_388 = arith.constant 1 : i32
          %dma_wait3A_389 = arith.constant 1 : i32
          %dma_wait3A_390 = arith.constant 0 : i32
          %dma_wait3A_391 = arith.constant 0 : i32
          %dma_wait3A_392 = tpu.memref_slice %arg8[%dma_wait3A_388, %dma_wait3A_390, %dma_wait3A_391] : memref<6x128x16xf32, #tpu.memory_space<vmem>> -> memref<1x128x16xf32, #tpu.memory_space<vmem>>
          %dma_wait3A_393 = tpu.memref_squeeze %dma_wait3A_392 : memref<1x128x16xf32, #tpu.memory_space<vmem>> -> memref<128x16xf32, #tpu.memory_space<vmem>>
          %dma_wait3A_394 = arith.constant 0 : i32
          %dma_wait3A_395 = tpu.memref_slice %arg7[%sub3A_387, %dma_wait3A_389, %dma_wait3A_394] : memref<79x2x128xi32, #tpu.memory_space<vmem>> -> memref<1x1x128xi32, #tpu.memory_space<vmem>>
          %dma_wait3A_396 = tpu.memref_squeeze %dma_wait3A_395 : memref<1x1x128xi32, #tpu.memory_space<vmem>> -> memref<128xi32, #tpu.memory_space<vmem>>
          %dma_wait3A_397 = arith.constant 0 : i32
          %dma_wait3A_398 = arith.constant 0 : i32
          %dma_wait3A_399 = tpu.memref_slice %arg9[%dma_wait3A_397, %dma_wait3A_398] : memref<10112x16xf32, #tpu.memory_space<vmem_shared>> -> memref<10112x16xf32, #tpu.memory_space<vmem_shared>>
          tpu.wait_indirect_dma semaphore(%arg17 : memref<!tpu.dma_semaphore, #tpu.memory_space<semaphore_mem>>) src(%dma_wait3A_393 : memref<128x16xf32, #tpu.memory_space<vmem>>) dst(%dma_wait3A_399 : memref<10112x16xf32, #tpu.memory_space<vmem_shared>>)
        } else {
        }
        %dma_start3A_375 = arith.constant 0 : i32
        %dma_start3A_376 = arith.constant 1 : i32
        %dma_start3A_377 = arith.constant 0 : i32
        %dma_start3A_378 = arith.constant 0 : i32
        %dma_start3A_379 = tpu.memref_slice %arg8[%dma_start3A_376, %dma_start3A_377, %dma_start3A_378] : memref<6x128x16xf32, #tpu.memory_space<vmem>> -> memref<1x128x16xf32, #tpu.memory_space<vmem>>
        %dma_start3A_380 = tpu.memref_squeeze %dma_start3A_379 : memref<1x128x16xf32, #tpu.memory_space<vmem>> -> memref<128x16xf32, #tpu.memory_space<vmem>>
        %dma_start3A_381 = arith.constant 0 : i32
        %dma_start3A_382 = tpu.memref_slice %arg7[%add3A_298, %dma_start3A_375, %dma_start3A_381] : memref<79x2x128xi32, #tpu.memory_space<vmem>> -> memref<1x1x128xi32, #tpu.memory_space<vmem>>
        %dma_start3A_383 = tpu.memref_squeeze %dma_start3A_382 : memref<1x1x128xi32, #tpu.memory_space<vmem>> -> memref<128xi32, #tpu.memory_space<vmem>>
        %dma_start3A_384 = arith.constant 0 : i32
        %dma_start3A_385 = arith.constant 0 : i32
        %dma_start3A_386 = tpu.memref_slice %arg2[%dma_start3A_384, %dma_start3A_385] : memref<10000x16xf32, #tpu.memory_space<hbm>> -> memref<10000x16xf32, #tpu.memory_space<hbm>>
        tpu.enqueue_indirect_dma source(%dma_start3A_386 : memref<10000x16xf32, #tpu.memory_space<hbm>>) target(%dma_start3A_380 : memref<128x16xf32, #tpu.memory_space<vmem>>) offsets(%dma_start3A_383 : memref<128xi32, #tpu.memory_space<vmem>>) semaphore(%arg11 : memref<!tpu.dma_semaphore, #tpu.memory_space<semaphore_mem>>)
      } else {
      }
      %add3A_304 = arith.constant 4 : i32
      %add3A_305 = arith.addi %mul3A_171, %add3A_304 : i32
      %dma_wait3A_306 = arith.constant 0 : i32
      %dma_wait3A_307 = arith.constant 4 : i32
      %dma_wait3A_308 = arith.constant 0 : i32
      %dma_wait3A_309 = arith.constant 0 : i32
      %dma_wait3A_310 = tpu.memref_slice %arg8[%dma_wait3A_307, %dma_wait3A_308, %dma_wait3A_309] : memref<6x128x16xf32, #tpu.memory_space<vmem>> -> memref<1x128x16xf32, #tpu.memory_space<vmem>>
      %dma_wait3A_311 = tpu.memref_squeeze %dma_wait3A_310 : memref<1x128x16xf32, #tpu.memory_space<vmem>> -> memref<128x16xf32, #tpu.memory_space<vmem>>
      %dma_wait3A_312 = arith.constant 0 : i32
      %dma_wait3A_313 = tpu.memref_slice %arg7[%add3A_305, %dma_wait3A_306, %dma_wait3A_312] : memref<79x2x128xi32, #tpu.memory_space<vmem>> -> memref<1x1x128xi32, #tpu.memory_space<vmem>>
      %dma_wait3A_314 = tpu.memref_squeeze %dma_wait3A_313 : memref<1x1x128xi32, #tpu.memory_space<vmem>> -> memref<128xi32, #tpu.memory_space<vmem>>
      %dma_wait3A_315 = arith.constant 0 : i32
      %dma_wait3A_316 = arith.constant 0 : i32
      %dma_wait3A_317 = tpu.memref_slice %arg2[%dma_wait3A_315, %dma_wait3A_316] : memref<10000x16xf32, #tpu.memory_space<hbm>> -> memref<10000x16xf32, #tpu.memory_space<hbm>>
      tpu.wait_indirect_dma semaphore(%arg14 : memref<!tpu.dma_semaphore, #tpu.memory_space<semaphore_mem>>) src(%dma_wait3A_317 : memref<10000x16xf32, #tpu.memory_space<hbm>>) dst(%dma_wait3A_311 : memref<128x16xf32, #tpu.memory_space<vmem>>)
      %dma_start3A_318 = arith.constant 4 : i32
      %dma_start3A_319 = arith.constant 1 : i32
      %dma_start3A_320 = arith.constant 0 : i32
      %dma_start3A_321 = arith.constant 0 : i32
      %dma_start3A_322 = tpu.memref_slice %arg8[%dma_start3A_318, %dma_start3A_320, %dma_start3A_321] : memref<6x128x16xf32, #tpu.memory_space<vmem>> -> memref<1x128x16xf32, #tpu.memory_space<vmem>>
      %dma_start3A_323 = tpu.memref_squeeze %dma_start3A_322 : memref<1x128x16xf32, #tpu.memory_space<vmem>> -> memref<128x16xf32, #tpu.memory_space<vmem>>
      %dma_start3A_324 = arith.constant 0 : i32
      %dma_start3A_325 = tpu.memref_slice %arg7[%add3A_305, %dma_start3A_319, %dma_start3A_324] : memref<79x2x128xi32, #tpu.memory_space<vmem>> -> memref<1x1x128xi32, #tpu.memory_space<vmem>>
      %dma_start3A_326 = tpu.memref_squeeze %dma_start3A_325 : memref<1x1x128xi32, #tpu.memory_space<vmem>> -> memref<128xi32, #tpu.memory_space<vmem>>
      %dma_start3A_327 = arith.constant 0 : i32
      %dma_start3A_328 = arith.constant 0 : i32
      %dma_start3A_329 = tpu.memref_slice %arg9[%dma_start3A_327, %dma_start3A_328] : memref<10112x16xf32, #tpu.memory_space<vmem_shared>> -> memref<10112x16xf32, #tpu.memory_space<vmem_shared>>
      tpu.enqueue_indirect_dma source(%dma_start3A_323 : memref<128x16xf32, #tpu.memory_space<vmem>>) target(%dma_start3A_329 : memref<10112x16xf32, #tpu.memory_space<vmem_shared>>) offsets(%dma_start3A_326 : memref<128xi32, #tpu.memory_space<vmem>>) semaphore(%arg20 : memref<!tpu.dma_semaphore, #tpu.memory_space<semaphore_mem>>) {add = true}
      %add3A_330 = arith.constant 4 : i32
      %add3A_331 = arith.addi %add3A_305, %add3A_330 : i32
      %lt3A_332 = arith.constant 78 : i32
      %lt3A_333 = arith.cmpi slt, %add3A_331, %lt3A_332 : i32
      %convert_element_type3A_334 = arith.extui %lt3A_333 : i1 to i32
      %cond3A_335 = arith.constant 0 : i32
      %cond3A_336 = arith.cmpi ne, %convert_element_type3A_334, %cond3A_335 : i32
      scf.if %cond3A_336 {
        %ge3A_370 = arith.constant 6 : i32
        %ge3A_371 = arith.cmpi sge, %add3A_331, %ge3A_370 : i32
        %convert_element_type3A_372 = arith.extui %ge3A_371 : i1 to i32
        %cond3A_373 = arith.constant 0 : i32
        %cond3A_374 = arith.cmpi ne, %convert_element_type3A_372, %cond3A_373 : i32
        scf.if %cond3A_374 {
          %sub3A = arith.constant 6 : i32
          %sub3A_387 = arith.subi %add3A_331, %sub3A : i32
          %dma_wait3A_388 = arith.constant 2 : i32
          %dma_wait3A_389 = arith.constant 1 : i32
          %dma_wait3A_390 = arith.constant 0 : i32
          %dma_wait3A_391 = arith.constant 0 : i32
          %dma_wait3A_392 = tpu.memref_slice %arg8[%dma_wait3A_388, %dma_wait3A_390, %dma_wait3A_391] : memref<6x128x16xf32, #tpu.memory_space<vmem>> -> memref<1x128x16xf32, #tpu.memory_space<vmem>>
          %dma_wait3A_393 = tpu.memref_squeeze %dma_wait3A_392 : memref<1x128x16xf32, #tpu.memory_space<vmem>> -> memref<128x16xf32, #tpu.memory_space<vmem>>
          %dma_wait3A_394 = arith.constant 0 : i32
          %dma_wait3A_395 = tpu.memref_slice %arg7[%sub3A_387, %dma_wait3A_389, %dma_wait3A_394] : memref<79x2x128xi32, #tpu.memory_space<vmem>> -> memref<1x1x128xi32, #tpu.memory_space<vmem>>
          %dma_wait3A_396 = tpu.memref_squeeze %dma_wait3A_395 : memref<1x1x128xi32, #tpu.memory_space<vmem>> -> memref<128xi32, #tpu.memory_space<vmem>>
          %dma_wait3A_397 = arith.constant 0 : i32
          %dma_wait3A_398 = arith.constant 0 : i32
          %dma_wait3A_399 = tpu.memref_slice %arg9[%dma_wait3A_397, %dma_wait3A_398] : memref<10112x16xf32, #tpu.memory_space<vmem_shared>> -> memref<10112x16xf32, #tpu.memory_space<vmem_shared>>
          tpu.wait_indirect_dma semaphore(%arg18 : memref<!tpu.dma_semaphore, #tpu.memory_space<semaphore_mem>>) src(%dma_wait3A_393 : memref<128x16xf32, #tpu.memory_space<vmem>>) dst(%dma_wait3A_399 : memref<10112x16xf32, #tpu.memory_space<vmem_shared>>)
        } else {
        }
        %dma_start3A_375 = arith.constant 0 : i32
        %dma_start3A_376 = arith.constant 2 : i32
        %dma_start3A_377 = arith.constant 0 : i32
        %dma_start3A_378 = arith.constant 0 : i32
        %dma_start3A_379 = tpu.memref_slice %arg8[%dma_start3A_376, %dma_start3A_377, %dma_start3A_378] : memref<6x128x16xf32, #tpu.memory_space<vmem>> -> memref<1x128x16xf32, #tpu.memory_space<vmem>>
        %dma_start3A_380 = tpu.memref_squeeze %dma_start3A_379 : memref<1x128x16xf32, #tpu.memory_space<vmem>> -> memref<128x16xf32, #tpu.memory_space<vmem>>
        %dma_start3A_381 = arith.constant 0 : i32
        %dma_start3A_382 = tpu.memref_slice %arg7[%add3A_331, %dma_start3A_375, %dma_start3A_381] : memref<79x2x128xi32, #tpu.memory_space<vmem>> -> memref<1x1x128xi32, #tpu.memory_space<vmem>>
        %dma_start3A_383 = tpu.memref_squeeze %dma_start3A_382 : memref<1x1x128xi32, #tpu.memory_space<vmem>> -> memref<128xi32, #tpu.memory_space<vmem>>
        %dma_start3A_384 = arith.constant 0 : i32
        %dma_start3A_385 = arith.constant 0 : i32
        %dma_start3A_386 = tpu.memref_slice %arg2[%dma_start3A_384, %dma_start3A_385] : memref<10000x16xf32, #tpu.memory_space<hbm>> -> memref<10000x16xf32, #tpu.memory_space<hbm>>
        tpu.enqueue_indirect_dma source(%dma_start3A_386 : memref<10000x16xf32, #tpu.memory_space<hbm>>) target(%dma_start3A_380 : memref<128x16xf32, #tpu.memory_space<vmem>>) offsets(%dma_start3A_383 : memref<128xi32, #tpu.memory_space<vmem>>) semaphore(%arg12 : memref<!tpu.dma_semaphore, #tpu.memory_space<semaphore_mem>>)
      } else {
      }
      %add3A_337 = arith.constant 5 : i32
      %add3A_338 = arith.addi %mul3A_171, %add3A_337 : i32
      %dma_wait3A_339 = arith.constant 0 : i32
      %dma_wait3A_340 = arith.constant 5 : i32
      %dma_wait3A_341 = arith.constant 0 : i32
      %dma_wait3A_342 = arith.constant 0 : i32
      %dma_wait3A_343 = tpu.memref_slice %arg8[%dma_wait3A_340, %dma_wait3A_341, %dma_wait3A_342] : memref<6x128x16xf32, #tpu.memory_space<vmem>> -> memref<1x128x16xf32, #tpu.memory_space<vmem>>
      %dma_wait3A_344 = tpu.memref_squeeze %dma_wait3A_343 : memref<1x128x16xf32, #tpu.memory_space<vmem>> -> memref<128x16xf32, #tpu.memory_space<vmem>>
      %dma_wait3A_345 = arith.constant 0 : i32
      %dma_wait3A_346 = tpu.memref_slice %arg7[%add3A_338, %dma_wait3A_339, %dma_wait3A_345] : memref<79x2x128xi32, #tpu.memory_space<vmem>> -> memref<1x1x128xi32, #tpu.memory_space<vmem>>
      %dma_wait3A_347 = tpu.memref_squeeze %dma_wait3A_346 : memref<1x1x128xi32, #tpu.memory_space<vmem>> -> memref<128xi32, #tpu.memory_space<vmem>>
      %dma_wait3A_348 = arith.constant 0 : i32
      %dma_wait3A_349 = arith.constant 0 : i32
      %dma_wait3A_350 = tpu.memref_slice %arg2[%dma_wait3A_348, %dma_wait3A_349] : memref<10000x16xf32, #tpu.memory_space<hbm>> -> memref<10000x16xf32, #tpu.memory_space<hbm>>
      tpu.wait_indirect_dma semaphore(%arg15 : memref<!tpu.dma_semaphore, #tpu.memory_space<semaphore_mem>>) src(%dma_wait3A_350 : memref<10000x16xf32, #tpu.memory_space<hbm>>) dst(%dma_wait3A_344 : memref<128x16xf32, #tpu.memory_space<vmem>>)
      %dma_start3A_351 = arith.constant 5 : i32
      %dma_start3A_352 = arith.constant 1 : i32
      %dma_start3A_353 = arith.constant 0 : i32
      %dma_start3A_354 = arith.constant 0 : i32
      %dma_start3A_355 = tpu.memref_slice %arg8[%dma_start3A_351, %dma_start3A_353, %dma_start3A_354] : memref<6x128x16xf32, #tpu.memory_space<vmem>> -> memref<1x128x16xf32, #tpu.memory_space<vmem>>
      %dma_start3A_356 = tpu.memref_squeeze %dma_start3A_355 : memref<1x128x16xf32, #tpu.memory_space<vmem>> -> memref<128x16xf32, #tpu.memory_space<vmem>>
      %dma_start3A_357 = arith.constant 0 : i32
      %dma_start3A_358 = tpu.memref_slice %arg7[%add3A_338, %dma_start3A_352, %dma_start3A_357] : memref<79x2x128xi32, #tpu.memory_space<vmem>> -> memref<1x1x128xi32, #tpu.memory_space<vmem>>
      %dma_start3A_359 = tpu.memref_squeeze %dma_start3A_358 : memref<1x1x128xi32, #tpu.memory_space<vmem>> -> memref<128xi32, #tpu.memory_space<vmem>>
      %dma_start3A_360 = arith.constant 0 : i32
      %dma_start3A_361 = arith.constant 0 : i32
      %dma_start3A_362 = tpu.memref_slice %arg9[%dma_start3A_360, %dma_start3A_361] : memref<10112x16xf32, #tpu.memory_space<vmem_shared>> -> memref<10112x16xf32, #tpu.memory_space<vmem_shared>>
      tpu.enqueue_indirect_dma source(%dma_start3A_356 : memref<128x16xf32, #tpu.memory_space<vmem>>) target(%dma_start3A_362 : memref<10112x16xf32, #tpu.memory_space<vmem_shared>>) offsets(%dma_start3A_359 : memref<128xi32, #tpu.memory_space<vmem>>) semaphore(%arg21 : memref<!tpu.dma_semaphore, #tpu.memory_space<semaphore_mem>>) {add = true}
      %add3A_363 = arith.constant 4 : i32
      %add3A_364 = arith.addi %add3A_338, %add3A_363 : i32
      %lt3A_365 = arith.constant 78 : i32
      %lt3A_366 = arith.cmpi slt, %add3A_364, %lt3A_365 : i32
      %convert_element_type3A_367 = arith.extui %lt3A_366 : i1 to i32
      %cond3A_368 = arith.constant 0 : i32
      %cond3A_369 = arith.cmpi ne, %convert_element_type3A_367, %cond3A_368 : i32
      scf.if %cond3A_369 {
        %ge3A_370 = arith.constant 6 : i32
        %ge3A_371 = arith.cmpi sge, %add3A_364, %ge3A_370 : i32
        %convert_element_type3A_372 = arith.extui %ge3A_371 : i1 to i32
        %cond3A_373 = arith.constant 0 : i32
        %cond3A_374 = arith.cmpi ne, %convert_element_type3A_372, %cond3A_373 : i32
        scf.if %cond3A_374 {
          %sub3A = arith.constant 6 : i32
          %sub3A_387 = arith.subi %add3A_364, %sub3A : i32
          %dma_wait3A_388 = arith.constant 3 : i32
          %dma_wait3A_389 = arith.constant 1 : i32
          %dma_wait3A_390 = arith.constant 0 : i32
          %dma_wait3A_391 = arith.constant 0 : i32
          %dma_wait3A_392 = tpu.memref_slice %arg8[%dma_wait3A_388, %dma_wait3A_390, %dma_wait3A_391] : memref<6x128x16xf32, #tpu.memory_space<vmem>> -> memref<1x128x16xf32, #tpu.memory_space<vmem>>
          %dma_wait3A_393 = tpu.memref_squeeze %dma_wait3A_392 : memref<1x128x16xf32, #tpu.memory_space<vmem>> -> memref<128x16xf32, #tpu.memory_space<vmem>>
          %dma_wait3A_394 = arith.constant 0 : i32
          %dma_wait3A_395 = tpu.memref_slice %arg7[%sub3A_387, %dma_wait3A_389, %dma_wait3A_394] : memref<79x2x128xi32, #tpu.memory_space<vmem>> -> memref<1x1x128xi32, #tpu.memory_space<vmem>>
          %dma_wait3A_396 = tpu.memref_squeeze %dma_wait3A_395 : memref<1x1x128xi32, #tpu.memory_space<vmem>> -> memref<128xi32, #tpu.memory_space<vmem>>
          %dma_wait3A_397 = arith.constant 0 : i32
          %dma_wait3A_398 = arith.constant 0 : i32
          %dma_wait3A_399 = tpu.memref_slice %arg9[%dma_wait3A_397, %dma_wait3A_398] : memref<10112x16xf32, #tpu.memory_space<vmem_shared>> -> memref<10112x16xf32, #tpu.memory_space<vmem_shared>>
          tpu.wait_indirect_dma semaphore(%arg19 : memref<!tpu.dma_semaphore, #tpu.memory_space<semaphore_mem>>) src(%dma_wait3A_393 : memref<128x16xf32, #tpu.memory_space<vmem>>) dst(%dma_wait3A_399 : memref<10112x16xf32, #tpu.memory_space<vmem_shared>>)
        } else {
        }
        %dma_start3A_375 = arith.constant 0 : i32
        %dma_start3A_376 = arith.constant 3 : i32
        %dma_start3A_377 = arith.constant 0 : i32
        %dma_start3A_378 = arith.constant 0 : i32
        %dma_start3A_379 = tpu.memref_slice %arg8[%dma_start3A_376, %dma_start3A_377, %dma_start3A_378] : memref<6x128x16xf32, #tpu.memory_space<vmem>> -> memref<1x128x16xf32, #tpu.memory_space<vmem>>
        %dma_start3A_380 = tpu.memref_squeeze %dma_start3A_379 : memref<1x128x16xf32, #tpu.memory_space<vmem>> -> memref<128x16xf32, #tpu.memory_space<vmem>>
        %dma_start3A_381 = arith.constant 0 : i32
        %dma_start3A_382 = tpu.memref_slice %arg7[%add3A_364, %dma_start3A_375, %dma_start3A_381] : memref<79x2x128xi32, #tpu.memory_space<vmem>> -> memref<1x1x128xi32, #tpu.memory_space<vmem>>
        %dma_start3A_383 = tpu.memref_squeeze %dma_start3A_382 : memref<1x1x128xi32, #tpu.memory_space<vmem>> -> memref<128xi32, #tpu.memory_space<vmem>>
        %dma_start3A_384 = arith.constant 0 : i32
        %dma_start3A_385 = arith.constant 0 : i32
        %dma_start3A_386 = tpu.memref_slice %arg2[%dma_start3A_384, %dma_start3A_385] : memref<10000x16xf32, #tpu.memory_space<hbm>> -> memref<10000x16xf32, #tpu.memory_space<hbm>>
        tpu.enqueue_indirect_dma source(%dma_start3A_386 : memref<10000x16xf32, #tpu.memory_space<hbm>>) target(%dma_start3A_380 : memref<128x16xf32, #tpu.memory_space<vmem>>) offsets(%dma_start3A_383 : memref<128xi32, #tpu.memory_space<vmem>>) semaphore(%arg13 : memref<!tpu.dma_semaphore, #tpu.memory_space<semaphore_mem>>)
      } else {
      }
    }
    %scan3A_75 = arith.constant 13 : i32
    %dma_wait3A = arith.constant 0 : i32
    %dma_wait3A_76 = arith.constant 72 : i32
    %dma_wait3A_77 = arith.constant 1 : i32
    %dma_wait3A_78 = arith.constant 0 : i32
    %dma_wait3A_79 = arith.constant 0 : i32
    %dma_wait3A_80 = tpu.memref_slice %arg8[%dma_wait3A, %dma_wait3A_78, %dma_wait3A_79] : memref<6x128x16xf32, #tpu.memory_space<vmem>> -> memref<1x128x16xf32, #tpu.memory_space<vmem>>
    %dma_wait3A_81 = tpu.memref_squeeze %dma_wait3A_80 : memref<1x128x16xf32, #tpu.memory_space<vmem>> -> memref<128x16xf32, #tpu.memory_space<vmem>>
    %dma_wait3A_82 = arith.constant 0 : i32
    %dma_wait3A_83 = tpu.memref_slice %arg7[%dma_wait3A_76, %dma_wait3A_77, %dma_wait3A_82] : memref<79x2x128xi32, #tpu.memory_space<vmem>> -> memref<1x1x128xi32, #tpu.memory_space<vmem>>
    %dma_wait3A_84 = tpu.memref_squeeze %dma_wait3A_83 : memref<1x1x128xi32, #tpu.memory_space<vmem>> -> memref<128xi32, #tpu.memory_space<vmem>>
    %dma_wait3A_85 = arith.constant 0 : i32
    %dma_wait3A_86 = arith.constant 0 : i32
    %dma_wait3A_87 = tpu.memref_slice %arg9[%dma_wait3A_85, %dma_wait3A_86] : memref<10112x16xf32, #tpu.memory_space<vmem_shared>> -> memref<10112x16xf32, #tpu.memory_space<vmem_shared>>
    tpu.wait_indirect_dma semaphore(%arg16 : memref<!tpu.dma_semaphore, #tpu.memory_space<semaphore_mem>>) src(%dma_wait3A_81 : memref<128x16xf32, #tpu.memory_space<vmem>>) dst(%dma_wait3A_87 : memref<10112x16xf32, #tpu.memory_space<vmem_shared>>)
    %dma_wait3A_88 = arith.constant 1 : i32
    %dma_wait3A_89 = arith.constant 73 : i32
    %dma_wait3A_90 = arith.constant 1 : i32
    %dma_wait3A_91 = arith.constant 0 : i32
    %dma_wait3A_92 = arith.constant 0 : i32
    %dma_wait3A_93 = tpu.memref_slice %arg8[%dma_wait3A_88, %dma_wait3A_91, %dma_wait3A_92] : memref<6x128x16xf32, #tpu.memory_space<vmem>> -> memref<1x128x16xf32, #tpu.memory_space<vmem>>
    %dma_wait3A_94 = tpu.memref_squeeze %dma_wait3A_93 : memref<1x128x16xf32, #tpu.memory_space<vmem>> -> memref<128x16xf32, #tpu.memory_space<vmem>>
    %dma_wait3A_95 = arith.constant 0 : i32
    %dma_wait3A_96 = tpu.memref_slice %arg7[%dma_wait3A_89, %dma_wait3A_90, %dma_wait3A_95] : memref<79x2x128xi32, #tpu.memory_space<vmem>> -> memref<1x1x128xi32, #tpu.memory_space<vmem>>
    %dma_wait3A_97 = tpu.memref_squeeze %dma_wait3A_96 : memref<1x1x128xi32, #tpu.memory_space<vmem>> -> memref<128xi32, #tpu.memory_space<vmem>>
    %dma_wait3A_98 = arith.constant 0 : i32
    %dma_wait3A_99 = arith.constant 0 : i32
    %dma_wait3A_100 = tpu.memref_slice %arg9[%dma_wait3A_98, %dma_wait3A_99] : memref<10112x16xf32, #tpu.memory_space<vmem_shared>> -> memref<10112x16xf32, #tpu.memory_space<vmem_shared>>
    tpu.wait_indirect_dma semaphore(%arg17 : memref<!tpu.dma_semaphore, #tpu.memory_space<semaphore_mem>>) src(%dma_wait3A_94 : memref<128x16xf32, #tpu.memory_space<vmem>>) dst(%dma_wait3A_100 : memref<10112x16xf32, #tpu.memory_space<vmem_shared>>)
    %dma_wait3A_101 = arith.constant 2 : i32
    %dma_wait3A_102 = arith.constant 74 : i32
    %dma_wait3A_103 = arith.constant 1 : i32
    %dma_wait3A_104 = arith.constant 0 : i32
    %dma_wait3A_105 = arith.constant 0 : i32
    %dma_wait3A_106 = tpu.memref_slice %arg8[%dma_wait3A_101, %dma_wait3A_104, %dma_wait3A_105] : memref<6x128x16xf32, #tpu.memory_space<vmem>> -> memref<1x128x16xf32, #tpu.memory_space<vmem>>
    %dma_wait3A_107 = tpu.memref_squeeze %dma_wait3A_106 : memref<1x128x16xf32, #tpu.memory_space<vmem>> -> memref<128x16xf32, #tpu.memory_space<vmem>>
    %dma_wait3A_108 = arith.constant 0 : i32
    %dma_wait3A_109 = tpu.memref_slice %arg7[%dma_wait3A_102, %dma_wait3A_103, %dma_wait3A_108] : memref<79x2x128xi32, #tpu.memory_space<vmem>> -> memref<1x1x128xi32, #tpu.memory_space<vmem>>
    %dma_wait3A_110 = tpu.memref_squeeze %dma_wait3A_109 : memref<1x1x128xi32, #tpu.memory_space<vmem>> -> memref<128xi32, #tpu.memory_space<vmem>>
    %dma_wait3A_111 = arith.constant 0 : i32
    %dma_wait3A_112 = arith.constant 0 : i32
    %dma_wait3A_113 = tpu.memref_slice %arg9[%dma_wait3A_111, %dma_wait3A_112] : memref<10112x16xf32, #tpu.memory_space<vmem_shared>> -> memref<10112x16xf32, #tpu.memory_space<vmem_shared>>
    tpu.wait_indirect_dma semaphore(%arg18 : memref<!tpu.dma_semaphore, #tpu.memory_space<semaphore_mem>>) src(%dma_wait3A_107 : memref<128x16xf32, #tpu.memory_space<vmem>>) dst(%dma_wait3A_113 : memref<10112x16xf32, #tpu.memory_space<vmem_shared>>)
    %dma_wait3A_114 = arith.constant 3 : i32
    %dma_wait3A_115 = arith.constant 75 : i32
    %dma_wait3A_116 = arith.constant 1 : i32
    %dma_wait3A_117 = arith.constant 0 : i32
    %dma_wait3A_118 = arith.constant 0 : i32
    %dma_wait3A_119 = tpu.memref_slice %arg8[%dma_wait3A_114, %dma_wait3A_117, %dma_wait3A_118] : memref<6x128x16xf32, #tpu.memory_space<vmem>> -> memref<1x128x16xf32, #tpu.memory_space<vmem>>
    %dma_wait3A_120 = tpu.memref_squeeze %dma_wait3A_119 : memref<1x128x16xf32, #tpu.memory_space<vmem>> -> memref<128x16xf32, #tpu.memory_space<vmem>>
    %dma_wait3A_121 = arith.constant 0 : i32
    %dma_wait3A_122 = tpu.memref_slice %arg7[%dma_wait3A_115, %dma_wait3A_116, %dma_wait3A_121] : memref<79x2x128xi32, #tpu.memory_space<vmem>> -> memref<1x1x128xi32, #tpu.memory_space<vmem>>
    %dma_wait3A_123 = tpu.memref_squeeze %dma_wait3A_122 : memref<1x1x128xi32, #tpu.memory_space<vmem>> -> memref<128xi32, #tpu.memory_space<vmem>>
    %dma_wait3A_124 = arith.constant 0 : i32
    %dma_wait3A_125 = arith.constant 0 : i32
    %dma_wait3A_126 = tpu.memref_slice %arg9[%dma_wait3A_124, %dma_wait3A_125] : memref<10112x16xf32, #tpu.memory_space<vmem_shared>> -> memref<10112x16xf32, #tpu.memory_space<vmem_shared>>
    tpu.wait_indirect_dma semaphore(%arg19 : memref<!tpu.dma_semaphore, #tpu.memory_space<semaphore_mem>>) src(%dma_wait3A_120 : memref<128x16xf32, #tpu.memory_space<vmem>>) dst(%dma_wait3A_126 : memref<10112x16xf32, #tpu.memory_space<vmem_shared>>)
    %dma_wait3A_127 = arith.constant 4 : i32
    %dma_wait3A_128 = arith.constant 76 : i32
    %dma_wait3A_129 = arith.constant 1 : i32
    %dma_wait3A_130 = arith.constant 0 : i32
    %dma_wait3A_131 = arith.constant 0 : i32
    %dma_wait3A_132 = tpu.memref_slice %arg8[%dma_wait3A_127, %dma_wait3A_130, %dma_wait3A_131] : memref<6x128x16xf32, #tpu.memory_space<vmem>> -> memref<1x128x16xf32, #tpu.memory_space<vmem>>
    %dma_wait3A_133 = tpu.memref_squeeze %dma_wait3A_132 : memref<1x128x16xf32, #tpu.memory_space<vmem>> -> memref<128x16xf32, #tpu.memory_space<vmem>>
    %dma_wait3A_134 = arith.constant 0 : i32
    %dma_wait3A_135 = tpu.memref_slice %arg7[%dma_wait3A_128, %dma_wait3A_129, %dma_wait3A_134] : memref<79x2x128xi32, #tpu.memory_space<vmem>> -> memref<1x1x128xi32, #tpu.memory_space<vmem>>
    %dma_wait3A_136 = tpu.memref_squeeze %dma_wait3A_135 : memref<1x1x128xi32, #tpu.memory_space<vmem>> -> memref<128xi32, #tpu.memory_space<vmem>>
    %dma_wait3A_137 = arith.constant 0 : i32
    %dma_wait3A_138 = arith.constant 0 : i32
    %dma_wait3A_139 = tpu.memref_slice %arg9[%dma_wait3A_137, %dma_wait3A_138] : memref<10112x16xf32, #tpu.memory_space<vmem_shared>> -> memref<10112x16xf32, #tpu.memory_space<vmem_shared>>
    tpu.wait_indirect_dma semaphore(%arg20 : memref<!tpu.dma_semaphore, #tpu.memory_space<semaphore_mem>>) src(%dma_wait3A_133 : memref<128x16xf32, #tpu.memory_space<vmem>>) dst(%dma_wait3A_139 : memref<10112x16xf32, #tpu.memory_space<vmem_shared>>)
    %dma_wait3A_140 = arith.constant 5 : i32
    %dma_wait3A_141 = arith.constant 77 : i32
    %dma_wait3A_142 = arith.constant 1 : i32
    %dma_wait3A_143 = arith.constant 0 : i32
    %dma_wait3A_144 = arith.constant 0 : i32
    %dma_wait3A_145 = tpu.memref_slice %arg8[%dma_wait3A_140, %dma_wait3A_143, %dma_wait3A_144] : memref<6x128x16xf32, #tpu.memory_space<vmem>> -> memref<1x128x16xf32, #tpu.memory_space<vmem>>
    %dma_wait3A_146 = tpu.memref_squeeze %dma_wait3A_145 : memref<1x128x16xf32, #tpu.memory_space<vmem>> -> memref<128x16xf32, #tpu.memory_space<vmem>>
    %dma_wait3A_147 = arith.constant 0 : i32
    %dma_wait3A_148 = tpu.memref_slice %arg7[%dma_wait3A_141, %dma_wait3A_142, %dma_wait3A_147] : memref<79x2x128xi32, #tpu.memory_space<vmem>> -> memref<1x1x128xi32, #tpu.memory_space<vmem>>
    %dma_wait3A_149 = tpu.memref_squeeze %dma_wait3A_148 : memref<1x1x128xi32, #tpu.memory_space<vmem>> -> memref<128xi32, #tpu.memory_space<vmem>>
    %dma_wait3A_150 = arith.constant 0 : i32
    %dma_wait3A_151 = arith.constant 0 : i32
    %dma_wait3A_152 = tpu.memref_slice %arg9[%dma_wait3A_150, %dma_wait3A_151] : memref<10112x16xf32, #tpu.memory_space<vmem_shared>> -> memref<10112x16xf32, #tpu.memory_space<vmem_shared>>
    tpu.wait_indirect_dma semaphore(%arg21 : memref<!tpu.dma_semaphore, #tpu.memory_space<semaphore_mem>>) src(%dma_wait3A_146 : memref<128x16xf32, #tpu.memory_space<vmem>>) dst(%dma_wait3A_152 : memref<10112x16xf32, #tpu.memory_space<vmem_shared>>)
    %lt3A_153 = arith.constant 4 : i32
    %lt3A_154 = arith.cmpi slt, %add3A, %lt3A_153 : i32
    %convert_element_type3A_155 = arith.extui %lt3A_154 : i1 to i32
    %cond3A_156 = arith.constant 0 : i32
    %cond3A_157 = arith.cmpi ne, %convert_element_type3A_155, %cond3A_156 : i32
    scf.if %cond3A_157 {
      %run_scoped3A = arith.constant 78 : i32
      %run_scoped3A_169 = arith.constant 0 : i32
      %run_scoped3A_170 = arith.constant 0 : i32
      "tpu.region"() ({
        %run_scoped3A_174 = tpu.sem_alloc : memref<!tpu.dma_semaphore, #tpu.memory_space<semaphore_mem>>
        %dma_start3A_175 = arith.constant 0 : i32
        %dma_start3A_176 = arith.constant 0 : i32
        %dma_start3A_177 = tpu.memref_slice %arg8[%run_scoped3A_170, %dma_start3A_175, %dma_start3A_176] : memref<6x128x16xf32, #tpu.memory_space<vmem>> -> memref<1x128x16xf32, #tpu.memory_space<vmem>>
        %dma_start3A_178 = tpu.memref_squeeze %dma_start3A_177 : memref<1x128x16xf32, #tpu.memory_space<vmem>> -> memref<128x16xf32, #tpu.memory_space<vmem>>
        %dma_start3A_179 = arith.constant 0 : i32
        %dma_start3A_180 = tpu.memref_slice %arg7[%run_scoped3A, %run_scoped3A_169, %dma_start3A_179] : memref<79x2x128xi32, #tpu.memory_space<vmem>> -> memref<1x1x128xi32, #tpu.memory_space<vmem>>
        %dma_start3A_181 = tpu.memref_squeeze %dma_start3A_180 : memref<1x1x128xi32, #tpu.memory_space<vmem>> -> memref<128xi32, #tpu.memory_space<vmem>>
        %dma_start3A_182 = arith.constant 0 : i32
        %dma_start3A_183 = arith.constant 0 : i32
        %dma_start3A_184 = tpu.memref_slice %arg2[%dma_start3A_182, %dma_start3A_183] : memref<10000x16xf32, #tpu.memory_space<hbm>> -> memref<10000x16xf32, #tpu.memory_space<hbm>>
        tpu.enqueue_indirect_dma source(%dma_start3A_184 : memref<10000x16xf32, #tpu.memory_space<hbm>>) target(%dma_start3A_178 : memref<128x16xf32, #tpu.memory_space<vmem>>) offsets(%dma_start3A_181 : memref<128xi32, #tpu.memory_space<vmem>>) semaphore(%run_scoped3A_174 : memref<!tpu.dma_semaphore, #tpu.memory_space<semaphore_mem>>)
        %dma_wait3A_185 = arith.constant 0 : i32
        %dma_wait3A_186 = arith.constant 0 : i32
        %dma_wait3A_187 = tpu.memref_slice %arg8[%run_scoped3A_170, %dma_wait3A_185, %dma_wait3A_186] : memref<6x128x16xf32, #tpu.memory_space<vmem>> -> memref<1x128x16xf32, #tpu.memory_space<vmem>>
        %dma_wait3A_188 = tpu.memref_squeeze %dma_wait3A_187 : memref<1x128x16xf32, #tpu.memory_space<vmem>> -> memref<128x16xf32, #tpu.memory_space<vmem>>
        %dma_wait3A_189 = arith.constant 0 : i32
        %dma_wait3A_190 = tpu.memref_slice %arg7[%run_scoped3A, %run_scoped3A_169, %dma_wait3A_189] : memref<79x2x128xi32, #tpu.memory_space<vmem>> -> memref<1x1x128xi32, #tpu.memory_space<vmem>>
        %dma_wait3A_191 = tpu.memref_squeeze %dma_wait3A_190 : memref<1x1x128xi32, #tpu.memory_space<vmem>> -> memref<128xi32, #tpu.memory_space<vmem>>
        %dma_wait3A_192 = arith.constant 0 : i32
        %dma_wait3A_193 = arith.constant 0 : i32
        %dma_wait3A_194 = tpu.memref_slice %arg2[%dma_wait3A_192, %dma_wait3A_193] : memref<10000x16xf32, #tpu.memory_space<hbm>> -> memref<10000x16xf32, #tpu.memory_space<hbm>>
        tpu.wait_indirect_dma semaphore(%run_scoped3A_174 : memref<!tpu.dma_semaphore, #tpu.memory_space<semaphore_mem>>) src(%dma_wait3A_194 : memref<10000x16xf32, #tpu.memory_space<hbm>>) dst(%dma_wait3A_188 : memref<128x16xf32, #tpu.memory_space<vmem>>)
        tpu.yield
      }) : () -> ()
      %run_scoped3A_171 = arith.constant 0 : i32
      %run_scoped3A_172 = arith.constant 78 : i32
      %run_scoped3A_173 = arith.constant 1 : i32
      "tpu.region"() ({
        %run_scoped3A_174 = tpu.sem_alloc : memref<!tpu.dma_semaphore, #tpu.memory_space<semaphore_mem>>
        %dma_start3A_175 = arith.constant 0 : i32
        %dma_start3A_176 = arith.constant 0 : i32
        %dma_start3A_177 = tpu.memref_slice %arg8[%run_scoped3A_171, %dma_start3A_175, %dma_start3A_176] : memref<6x128x16xf32, #tpu.memory_space<vmem>> -> memref<1x128x16xf32, #tpu.memory_space<vmem>>
        %dma_start3A_178 = tpu.memref_squeeze %dma_start3A_177 : memref<1x128x16xf32, #tpu.memory_space<vmem>> -> memref<128x16xf32, #tpu.memory_space<vmem>>
        %dma_start3A_179 = arith.constant 0 : i32
        %dma_start3A_180 = tpu.memref_slice %arg7[%run_scoped3A_172, %run_scoped3A_173, %dma_start3A_179] : memref<79x2x128xi32, #tpu.memory_space<vmem>> -> memref<1x1x128xi32, #tpu.memory_space<vmem>>
        %dma_start3A_181 = tpu.memref_squeeze %dma_start3A_180 : memref<1x1x128xi32, #tpu.memory_space<vmem>> -> memref<128xi32, #tpu.memory_space<vmem>>
        %dma_start3A_182 = arith.constant 0 : i32
        %dma_start3A_183 = arith.constant 0 : i32
        %dma_start3A_184 = tpu.memref_slice %arg9[%dma_start3A_182, %dma_start3A_183] : memref<10112x16xf32, #tpu.memory_space<vmem_shared>> -> memref<10112x16xf32, #tpu.memory_space<vmem_shared>>
        tpu.enqueue_indirect_dma source(%dma_start3A_178 : memref<128x16xf32, #tpu.memory_space<vmem>>) target(%dma_start3A_184 : memref<10112x16xf32, #tpu.memory_space<vmem_shared>>) offsets(%dma_start3A_181 : memref<128xi32, #tpu.memory_space<vmem>>) semaphore(%run_scoped3A_174 : memref<!tpu.dma_semaphore, #tpu.memory_space<semaphore_mem>>) {add = true}
        %dma_wait3A_185 = arith.constant 0 : i32
        %dma_wait3A_186 = arith.constant 0 : i32
        %dma_wait3A_187 = tpu.memref_slice %arg8[%run_scoped3A_171, %dma_wait3A_185, %dma_wait3A_186] : memref<6x128x16xf32, #tpu.memory_space<vmem>> -> memref<1x128x16xf32, #tpu.memory_space<vmem>>
        %dma_wait3A_188 = tpu.memref_squeeze %dma_wait3A_187 : memref<1x128x16xf32, #tpu.memory_space<vmem>> -> memref<128x16xf32, #tpu.memory_space<vmem>>
        %dma_wait3A_189 = arith.constant 0 : i32
        %dma_wait3A_190 = tpu.memref_slice %arg7[%run_scoped3A_172, %run_scoped3A_173, %dma_wait3A_189] : memref<79x2x128xi32, #tpu.memory_space<vmem>> -> memref<1x1x128xi32, #tpu.memory_space<vmem>>
        %dma_wait3A_191 = tpu.memref_squeeze %dma_wait3A_190 : memref<1x1x128xi32, #tpu.memory_space<vmem>> -> memref<128xi32, #tpu.memory_space<vmem>>
        %dma_wait3A_192 = arith.constant 0 : i32
        %dma_wait3A_193 = arith.constant 0 : i32
        %dma_wait3A_194 = tpu.memref_slice %arg9[%dma_wait3A_192, %dma_wait3A_193] : memref<10112x16xf32, #tpu.memory_space<vmem_shared>> -> memref<10112x16xf32, #tpu.memory_space<vmem_shared>>
        tpu.wait_indirect_dma semaphore(%run_scoped3A_174 : memref<!tpu.dma_semaphore, #tpu.memory_space<semaphore_mem>>) src(%dma_wait3A_188 : memref<128x16xf32, #tpu.memory_space<vmem>>) dst(%dma_wait3A_194 : memref<10112x16xf32, #tpu.memory_space<vmem_shared>>)
        tpu.yield
      }) : () -> ()
    } else {
    }
    %barrier3A_158 = arith.constant 0 : index
    tpu.barrier barrier_id(%barrier3A_158)
    %lt3A_159 = arith.constant 15 : i32
    %lt3A_160 = arith.cmpi slt, %arg1, %lt3A_159 : i32
    %convert_element_type3A_161 = arith.extui %lt3A_160 : i1 to i32
    %cond3A_162 = arith.constant 0 : i32
    %cond3A_163 = arith.cmpi ne, %convert_element_type3A_161, %cond3A_162 : i32
    scf.if %cond3A_163 {
      %mul3A_169 = arith.constant 632 : i32
      %mul3A_170 = arith.muli %arg1, %mul3A_169 : i32
      %mul3A_171 = arith.constant 632 : i32
      %mul3A_172 = arith.muli %arg1, %mul3A_171 : i32
      "tpu.region"() ({
        %run_scoped3A = tpu.sem_alloc : memref<!tpu.dma_semaphore, #tpu.memory_space<semaphore_mem>>
        %dma_start3A_173 = arith.constant 0 : i32
        %dma_start3A_174 = tpu.memref_slice %arg6[%arg0, %mul3A_172, %dma_start3A_173] : memref<2x10000x16xf32, #tpu.memory_space<hbm>> -> memref<1x632x16xf32, #tpu.memory_space<hbm>>
        %dma_start3A_175 = tpu.memref_squeeze %dma_start3A_174 : memref<1x632x16xf32, #tpu.memory_space<hbm>> -> memref<632x16xf32, #tpu.memory_space<hbm>>
        %dma_start3A_176 = arith.constant 0 : i32
        %dma_start3A_177 = tpu.memref_slice %arg9[%mul3A_170, %dma_start3A_176] : memref<10112x16xf32, #tpu.memory_space<vmem_shared>> -> memref<632x16xf32, #tpu.memory_space<vmem_shared>>
        tpu.enqueue_dma source(%dma_start3A_177 : memref<632x16xf32, #tpu.memory_space<vmem_shared>>) target(%dma_start3A_175 : memref<632x16xf32, #tpu.memory_space<hbm>>) target_semaphore(%run_scoped3A : memref<!tpu.dma_semaphore, #tpu.memory_space<semaphore_mem>>)
        %dma_wait3A_178 = arith.constant 0 : i32
        %dma_wait3A_179 = tpu.memref_slice %arg6[%arg0, %mul3A_172, %dma_wait3A_178] : memref<2x10000x16xf32, #tpu.memory_space<hbm>> -> memref<1x632x16xf32, #tpu.memory_space<hbm>>
        %dma_wait3A_180 = tpu.memref_squeeze %dma_wait3A_179 : memref<1x632x16xf32, #tpu.memory_space<hbm>> -> memref<632x16xf32, #tpu.memory_space<hbm>>
        %dma_wait3A_181 = arith.constant 0 : i32
        %dma_wait3A_182 = tpu.memref_slice %arg9[%mul3A_170, %dma_wait3A_181] : memref<10112x16xf32, #tpu.memory_space<vmem_shared>> -> memref<632x16xf32, #tpu.memory_space<vmem_shared>>
        tpu.wait_dma2 semaphore(%run_scoped3A : memref<!tpu.dma_semaphore, #tpu.memory_space<semaphore_mem>>) src(%dma_wait3A_182 : memref<632x16xf32, #tpu.memory_space<vmem_shared>>) dst(%dma_wait3A_180 : memref<632x16xf32, #tpu.memory_space<hbm>>)
        tpu.yield
      }) : () -> ()
    } else {
    }
    %eq3A_164 = arith.constant 15 : i32
    %eq3A_165 = arith.cmpi eq, %arg1, %eq3A_164 : i32
    %convert_element_type3A_166 = arith.extui %eq3A_165 : i1 to i32
    %cond3A_167 = arith.constant 0 : i32
    %cond3A_168 = arith.cmpi ne, %convert_element_type3A_166, %cond3A_167 : i32
    scf.if %cond3A_168 {
      "tpu.region"() ({
        %run_scoped3A = tpu.sem_alloc : memref<!tpu.dma_semaphore, #tpu.memory_space<semaphore_mem>>
        %dma_start3A_169 = arith.constant 9480 : i32
        %dma_start3A_170 = arith.constant 0 : i32
        %dma_start3A_171 = tpu.memref_slice %arg6[%arg0, %dma_start3A_169, %dma_start3A_170] : memref<2x10000x16xf32, #tpu.memory_space<hbm>> -> memref<1x520x16xf32, #tpu.memory_space<hbm>>
        %dma_start3A_172 = tpu.memref_squeeze %dma_start3A_171 : memref<1x520x16xf32, #tpu.memory_space<hbm>> -> memref<520x16xf32, #tpu.memory_space<hbm>>
        %dma_start3A_173 = arith.constant 9480 : i32
        %dma_start3A_174 = arith.constant 0 : i32
        %dma_start3A_175 = tpu.memref_slice %arg9[%dma_start3A_173, %dma_start3A_174] : memref<10112x16xf32, #tpu.memory_space<vmem_shared>> -> memref<520x16xf32, #tpu.memory_space<vmem_shared>>
        tpu.enqueue_dma source(%dma_start3A_175 : memref<520x16xf32, #tpu.memory_space<vmem_shared>>) target(%dma_start3A_172 : memref<520x16xf32, #tpu.memory_space<hbm>>) target_semaphore(%run_scoped3A : memref<!tpu.dma_semaphore, #tpu.memory_space<semaphore_mem>>)
        %dma_wait3A_176 = arith.constant 9480 : i32
        %dma_wait3A_177 = arith.constant 0 : i32
        %dma_wait3A_178 = tpu.memref_slice %arg6[%arg0, %dma_wait3A_176, %dma_wait3A_177] : memref<2x10000x16xf32, #tpu.memory_space<hbm>> -> memref<1x520x16xf32, #tpu.memory_space<hbm>>
        %dma_wait3A_179 = tpu.memref_squeeze %dma_wait3A_178 : memref<1x520x16xf32, #tpu.memory_space<hbm>> -> memref<520x16xf32, #tpu.memory_space<hbm>>
        %dma_wait3A_180 = arith.constant 9480 : i32
        %dma_wait3A_181 = arith.constant 0 : i32
        %dma_wait3A_182 = tpu.memref_slice %arg9[%dma_wait3A_180, %dma_wait3A_181] : memref<10112x16xf32, #tpu.memory_space<vmem_shared>> -> memref<520x16xf32, #tpu.memory_space<vmem_shared>>
        tpu.wait_dma2 semaphore(%run_scoped3A : memref<!tpu.dma_semaphore, #tpu.memory_space<semaphore_mem>>) src(%dma_wait3A_182 : memref<520x16xf32, #tpu.memory_space<vmem_shared>>) dst(%dma_wait3A_179 : memref<520x16xf32, #tpu.memory_space<hbm>>)
        tpu.yield
      }) : () -> ()
    } else {
    }
    return
  }
}

module attributes {stable_mosaic.version = 14 : i64} {
  func.func @_proj_kernel(%arg0: i32, %arg1: memref<2000x128xf32, #tpu.memory_space<vmem>>, %arg2: memref<128x32xf32, #tpu.memory_space<vmem>>, %arg3: memref<1x32xf32, #tpu.memory_space<vmem>>, %arg4: memref<2000x16xf32, #tpu.memory_space<vmem>>, %arg5: memref<2000x16xf32, #tpu.memory_space<vmem>>) attributes {dimension_semantics = [#tpu.dimension_semantics<arbitrary>], iteration_bounds = array<i64: 5>, scalar_prefetch = 0 : i64, scratch_operands = 0 : i64, tpu.core_type = #tpu.core_type<tc>, window_params = [{transform_indices = @transform_0, window_bounds = array<i64: 2000, 128>}, {pipeline_mode = #tpu.pipeline_mode<synchronous>, transform_indices = @transform_1, window_bounds = array<i64: 128, 32>}, {pipeline_mode = #tpu.pipeline_mode<synchronous>, transform_indices = @transform_2, window_bounds = array<i64: 1, 32>}, {transform_indices = @transform_3, window_bounds = array<i64: 2000, 16>}, {transform_indices = @transform_4, window_bounds = array<i64: 2000, 16>}]} {
    %get3A = arith.constant 0 : index
    %get3A_0 = arith.constant 0 : index
    %get3A_1 = vector.load %arg1[%get3A, %get3A_0] : memref<2000x128xf32, #tpu.memory_space<vmem>>, vector<2000x128xf32>
    %get3A_2 = arith.constant 0 : index
    %get3A_3 = arith.constant 0 : index
    %get3A_4 = vector.load %arg2[%get3A_2, %get3A_3] : memref<128x32xf32, #tpu.memory_space<vmem>>, vector<128x32xf32>
    %dot_general3A = arith.constant dense<0.000000e+00> : vector<2000x32xf32>
    %dot_general3A_5 = tpu.matmul %get3A_1, %get3A_4, %dot_general3A {dimension_numbers = #tpu.dot_dimension_numbers<[1], [0], [0], [1], [0, 0, 1, 1], [], []>, transpose_lhs_hint = false} : vector<2000x128xf32>, vector<128x32xf32>, vector<2000x32xf32> -> vector<2000x32xf32>
    %get3A_6 = arith.constant 0 : index
    %get3A_7 = arith.constant 0 : index
    %get3A_8 = vector.load %arg3[%get3A_6, %get3A_7] : memref<1x32xf32, #tpu.memory_space<vmem>>, vector<1x32xf32>
    %add3A = vector.broadcast %get3A_8 : vector<1x32xf32> to vector<2000x32xf32>
    %add3A_9 = arith.addf %dot_general3A_5, %add3A : vector<2000x32xf32>
    %slice3A = vector.extract_strided_slice %add3A_9 {offsets = [0, 0], sizes = [2000, 16], strides = [1, 1]} : vector<2000x32xf32> to vector<2000x16xf32>
    %swap3A = arith.constant 0 : index
    %swap3A_10 = arith.constant 0 : index
    %swap3A_11 = vector.load %arg4[%swap3A, %swap3A_10] : memref<2000x16xf32, #tpu.memory_space<vmem>>, vector<2000x16xf32>
    tpu.vector_store %arg4[%swap3A, %swap3A_10], %slice3A {strides = array<i32>} : memref<2000x16xf32, #tpu.memory_space<vmem>>, vector<2000x16xf32>,
    %slice3A_12 = vector.extract_strided_slice %add3A_9 {offsets = [0, 16], sizes = [2000, 16], strides = [1, 1]} : vector<2000x32xf32> to vector<2000x16xf32>
    %swap3A_13 = arith.constant 0 : index
    %swap3A_14 = arith.constant 0 : index
    %swap3A_15 = vector.load %arg5[%swap3A_13, %swap3A_14] : memref<2000x16xf32, #tpu.memory_space<vmem>>, vector<2000x16xf32>
    tpu.vector_store %arg5[%swap3A_13, %swap3A_14], %slice3A_12 {strides = array<i32>} : memref<2000x16xf32, #tpu.memory_space<vmem>>, vector<2000x16xf32>,
    return
  }
  func.func @transform_0(%arg0: i32) -> (i32, i32) {
    %c0_i32 = arith.constant 0 : i32
    %c0_i32_0 = arith.constant 0 : i32
    return %arg0, %c0_i32 : i32, i32
  }
  func.func @transform_1(%arg0: i32) -> (i32, i32) {
    %c0_i32 = arith.constant 0 : i32
    %c0_i32_0 = arith.constant 0 : i32
    %c0_i32_1 = arith.constant 0 : i32
    return %c0_i32, %c0_i32_0 : i32, i32
  }
  func.func @transform_2(%arg0: i32) -> (i32, i32) {
    %c0_i32 = arith.constant 0 : i32
    %c0_i32_0 = arith.constant 0 : i32
    %c0_i32_1 = arith.constant 0 : i32
    return %c0_i32, %c0_i32_0 : i32, i32
  }
  func.func @transform_3(%arg0: i32) -> (i32, i32) {
    %c0_i32 = arith.constant 0 : i32
    %c0_i32_0 = arith.constant 0 : i32
    return %arg0, %c0_i32 : i32, i32
  }
  func.func @transform_4(%arg0: i32) -> (i32, i32) {
    %c0_i32 = arith.constant 0 : i32
    %c0_i32_0 = arith.constant 0 : i32
    return %arg0, %c0_i32 : i32, i32
  }
}

module attributes {stable_mosaic.version = 14 : i64} {
  func.func @_mlp_kernel(%arg0: i32, %arg1: memref<2x1250x128xf32, #tpu.memory_space<vmem>>, %arg2: memref<128x128xf32, #tpu.memory_space<vmem>>, %arg3: memref<1x128xf32, #tpu.memory_space<vmem>>, %arg4: memref<128x128xf32, #tpu.memory_space<vmem>>, %arg5: memref<1x128xf32, #tpu.memory_space<vmem>>, %arg6: memref<1250x128xf32, #tpu.memory_space<vmem>>) attributes {dimension_semantics = [#tpu.dimension_semantics<arbitrary>], iteration_bounds = array<i64: 1>, scalar_prefetch = 0 : i64, scratch_operands = 0 : i64, tpu.core_type = #tpu.core_type<tc>, window_params = [{transform_indices = @transform_0, window_bounds = array<i64: 2, 1250, 128>}, {pipeline_mode = #tpu.pipeline_mode<synchronous>, transform_indices = @transform_1, window_bounds = array<i64: 128, 128>}, {pipeline_mode = #tpu.pipeline_mode<synchronous>, transform_indices = @transform_2, window_bounds = array<i64: 1, 128>}, {pipeline_mode = #tpu.pipeline_mode<synchronous>, transform_indices = @transform_3, window_bounds = array<i64: 128, 128>}, {pipeline_mode = #tpu.pipeline_mode<synchronous>, transform_indices = @transform_4, window_bounds = array<i64: 1, 128>}, {transform_indices = @transform_5, window_bounds = array<i64: 1250, 128>}]} {
    %get3A = arith.constant 0 : index
    %get3A_0 = arith.constant 0 : index
    %get3A_1 = arith.constant 0 : index
    %get3A_2 = vector.load %arg1[%get3A, %get3A_0, %get3A_1] : memref<2x1250x128xf32, #tpu.memory_space<vmem>>, vector<1x1250x128xf32>
    %get3A_3 = vector.shape_cast %get3A_2 : vector<1x1250x128xf32> to vector<1250x128xf32>
    %get3A_4 = arith.constant 1 : index
    %get3A_5 = arith.constant 0 : index
    %get3A_6 = arith.constant 0 : index
    %get3A_7 = vector.load %arg1[%get3A_4, %get3A_5, %get3A_6] : memref<2x1250x128xf32, #tpu.memory_space<vmem>>, vector<1x1250x128xf32>
    %get3A_8 = vector.shape_cast %get3A_7 : vector<1x1250x128xf32> to vector<1250x128xf32>
    %add3A = arith.addf %get3A_3, %get3A_8 : vector<1250x128xf32>
    %ge3A = arith.constant 0.000000e+00 : f32
    %ge3A_9 = vector.broadcast %ge3A : f32 to vector<1250x128xf32>
    %ge3A_10 = arith.cmpf oge, %add3A, %ge3A_9 : vector<1250x128xf32>
    %mul3A = arith.constant 0.00999999977 : f32
    %mul3A_11 = vector.broadcast %mul3A : f32 to vector<1250x128xf32>
    %mul3A_12 = arith.mulf %mul3A_11, %add3A : vector<1250x128xf32>
    %select_n3A = arith.select %ge3A_10, %add3A, %mul3A_12 : vector<1250x128xi1>, vector<1250x128xf32>
    %get3A_13 = arith.constant 0 : index
    %get3A_14 = arith.constant 0 : index
    %get3A_15 = vector.load %arg2[%get3A_13, %get3A_14] : memref<128x128xf32, #tpu.memory_space<vmem>>, vector<128x128xf32>
    %dot_general3A = arith.constant dense<0.000000e+00> : vector<1250x128xf32>
    %dot_general3A_16 = tpu.matmul %select_n3A, %get3A_15, %dot_general3A {dimension_numbers = #tpu.dot_dimension_numbers<[1], [0], [0], [1], [0, 0, 1, 1], [], []>, transpose_lhs_hint = false} : vector<1250x128xf32>, vector<128x128xf32>, vector<1250x128xf32> -> vector<1250x128xf32>
    %get3A_17 = arith.constant 0 : index
    %get3A_18 = arith.constant 0 : index
    %get3A_19 = vector.load %arg3[%get3A_17, %get3A_18] : memref<1x128xf32, #tpu.memory_space<vmem>>, vector<1x128xf32>
    %add3A_20 = vector.broadcast %get3A_19 : vector<1x128xf32> to vector<1250x128xf32>
    %add3A_21 = arith.addf %dot_general3A_16, %add3A_20 : vector<1250x128xf32>
    %ge3A_22 = arith.constant 0.000000e+00 : f32
    %ge3A_23 = vector.broadcast %ge3A_22 : f32 to vector<1250x128xf32>
    %ge3A_24 = arith.cmpf oge, %add3A_21, %ge3A_23 : vector<1250x128xf32>
    %mul3A_25 = arith.constant 0.00999999977 : f32
    %mul3A_26 = vector.broadcast %mul3A_25 : f32 to vector<1250x128xf32>
    %mul3A_27 = arith.mulf %mul3A_26, %add3A_21 : vector<1250x128xf32>
    %select_n3A_28 = arith.select %ge3A_24, %add3A_21, %mul3A_27 : vector<1250x128xi1>, vector<1250x128xf32>
    %get3A_29 = arith.constant 0 : index
    %get3A_30 = arith.constant 0 : index
    %get3A_31 = vector.load %arg4[%get3A_29, %get3A_30] : memref<128x128xf32, #tpu.memory_space<vmem>>, vector<128x128xf32>
    %dot_general3A_32 = arith.constant dense<0.000000e+00> : vector<1250x128xf32>
    %dot_general3A_33 = tpu.matmul %select_n3A_28, %get3A_31, %dot_general3A_32 {dimension_numbers = #tpu.dot_dimension_numbers<[1], [0], [0], [1], [0, 0, 1, 1], [], []>, transpose_lhs_hint = false} : vector<1250x128xf32>, vector<128x128xf32>, vector<1250x128xf32> -> vector<1250x128xf32>
    %get3A_34 = arith.constant 0 : index
    %get3A_35 = arith.constant 0 : index
    %get3A_36 = vector.load %arg5[%get3A_34, %get3A_35] : memref<1x128xf32, #tpu.memory_space<vmem>>, vector<1x128xf32>
    %add3A_37 = vector.broadcast %get3A_36 : vector<1x128xf32> to vector<1250x128xf32>
    %add3A_38 = arith.addf %dot_general3A_33, %add3A_37 : vector<1250x128xf32>
    %swap3A = arith.constant 0 : index
    %swap3A_39 = arith.constant 0 : index
    %swap3A_40 = vector.load %arg6[%swap3A, %swap3A_39] : memref<1250x128xf32, #tpu.memory_space<vmem>>, vector<1250x128xf32>
    tpu.vector_store %arg6[%swap3A, %swap3A_39], %add3A_38 {strides = array<i32>} : memref<1250x128xf32, #tpu.memory_space<vmem>>, vector<1250x128xf32>,
    return
  }
  func.func @transform_0(%arg0: i32) -> (i32, i32, i32) {
    %c0_i32 = arith.constant 0 : i32
    %c0_i32_0 = arith.constant 0 : i32
    %c0_i32_1 = arith.constant 0 : i32
    return %c0_i32, %arg0, %c0_i32_0 : i32, i32, i32
  }
  func.func @transform_1(%arg0: i32) -> (i32, i32) {
    %c0_i32 = arith.constant 0 : i32
    %c0_i32_0 = arith.constant 0 : i32
    %c0_i32_1 = arith.constant 0 : i32
    return %c0_i32, %c0_i32_0 : i32, i32
  }
  func.func @transform_2(%arg0: i32) -> (i32, i32) {
    %c0_i32 = arith.constant 0 : i32
    %c0_i32_0 = arith.constant 0 : i32
    %c0_i32_1 = arith.constant 0 : i32
    return %c0_i32, %c0_i32_0 : i32, i32
  }
  func.func @transform_3(%arg0: i32) -> (i32, i32) {
    %c0_i32 = arith.constant 0 : i32
    %c0_i32_0 = arith.constant 0 : i32
    %c0_i32_1 = arith.constant 0 : i32
    return %c0_i32, %c0_i32_0 : i32, i32
  }
  func.func @transform_4(%arg0: i32) -> (i32, i32) {
    %c0_i32 = arith.constant 0 : i32
    %c0_i32_0 = arith.constant 0 : i32
    %c0_i32_1 = arith.constant 0 : i32
    return %c0_i32, %c0_i32_0 : i32, i32
  }
  func.func @transform_5(%arg0: i32) -> (i32, i32) {
    %c0_i32 = arith.constant 0 : i32
    %c0_i32_0 = arith.constant 0 : i32
    return %arg0, %c0_i32 : i32, i32
  }
}

</mosaic_0001>

<sc_bundles>
// kernel: kernel.5.cloned.1.call-start
scs
__scs_entry_jumppad:
0x0: {  	(pc) =	sbr.rel $0x88, $3  }
0x1: {  	(tag) =	ssettag $0x0;
	lr =	simm.s32 $0x1  }
0x2: {  	[smem:$0x3F98] =	sst lr;
	_ =	strace $0xD0000000  }
0x3: {  	_ = 	snop  }
0x4: {  	_ = 	snop  }
0x5: {  	_ = 	snop  }
0x6: {  	_ = 	snop  }
0x7: {  	_ = 	snop  }
__scs_overlays_trampoline_lowered:
0x8: {  	[smem:$0x3FA7] =	sst s0  }
0x9: {  	[smem:$0x3FA8] =	sst s1  }
0xa: {  	[smem:$0x3FA9] =	sst s2  }
0xb: {  	[smem:$0x3FAA] =	sst s3  }
0xc: {  	[smem:$0x3FAB] =	sst s4  }
0xd: {  	[smem:$0x3FAC] =	sst s5  }
0xe: {  	[smem:$0x3FAD] =	sst s6  }
0xf: {  	[smem:$0x3FAE] =	sst s7  }
0x10: {  	[smem:$0x3FAF] =	sst s8  }
0x11: {  	[smem:$0x3FB0] =	sst s9;
	s0 =	simm.s32 @!p0 $0x0  }
0x12: {  	s1 =	sld [smem:$0x3F96];
	s0 =	simm.s32 @p0 $0x1  }
0x13: {  	[smem:$0x3FB1] =	sst s0;
	s0 =	simm.s32 @!p1 $0x0  }
0x14: {  	s2 =	sld [smem:$0x3F95];
	s0 =	simm.s32 @p1 $0x1  }
0x15: {  	[smem:$0x3FB2] =	sst s0;
	s0 =	simm.s32 @!p2 $0x0  }
0x16: {  	s3 =	sld [smem:$0x3FDB];
	s0 =	simm.s32 @p2 $0x1  }
0x17: {  	s4 =	simm.s32 $0x1BF5;
	[smem:$0x3FB4] =	sst s0  }
0x18: {  	s0 =	sld [smem:$0x3F97];
	_ =	swait.ge [sflag:s4], $0x0  }
0x19: {  	s7 =	sld [smem:$0x3F98]  }
0x1a: {  	s8 =	sadd.s32 $0xFFFFE003, lr  }
0x1b: {  	s9 =	sadd.s32 $0xFFFFFEF7, lr;
	s5 =	simm.s32 $0xFFFFFFFF;
	p2 =	slt.u32 s8, $0xFFFFF086  }
0x1c: {  	p1 =	slt.u32 s9, $0xF7A;
	s5 =	simm.s32 @!p2 $0x0  }
0x1d: {  	s5 =	simm.s32 @p1 $0x1;
	p0 =	seq.s32 s7, s2  }
0x1e: {  	s7 =	smul.u32 @!p0 $0xF7A, s2;
	p2 =	seq.s32 @!p0 s5, $0x0  }
0x1f: {  	s9 =	smul.u32 $0xF7A, s1;
	s8 =	simm.s32 @!p0 $0x1BF5;
	p2 =	por !p2, p0  }
0x20: {  	[sflag:s8] =	ssyncset.s32 @!p0 $0xFFFFF086;
	s6 =	sadd.s32 @!p0 s3, s7;
	s7 =	simm.s32 @!p0 $0x108  }
0x21: {  	s3 =	sadd.s32 s3, s9;
	s6 =	sadd.s32 @!p0 $0x88, s6;
	s7 =	simm.s32 @p2 $0x1082  }
0x22: {  	[simem:s7], [sflag:s8] =	dma.local @!p0 [hbm:s6], $0xF7A  }
0x23: {  	s9 =	sor.u32 $0xD0000000, s2;
	s6 =	simm.s32 $0x108;
	_ =	swait.ge @!p0 [sflag:s8], $0x0  }
0x24: {  	s3 =	sadd.s32 $0x88, s3;
	s6 =	simm.s32 @!p1 $0x1082;
	[sflag:s4] =	ssyncset.s32 $0xFFFFF086  }
0x25: {  	[simem:s6], [sflag:s4] =	dma.local [hbm:s3], $0xF7A  }
0x26: {  	[smem:$0x3F98] =	sst s1;
	(tag) =	ssettag s2;
	_ =	strace s9  }
0x27: {  	s1 =	sld [smem:$0x3FA8]  }
0x28: {  	s2 =	sld [smem:$0x3FA9]  }
0x29: {  	s4 =	sld [smem:$0x3FAB]  }
0x2a: {  	p0 =	seq.s32 s5, $0x0;
	s5 =	sld [smem:$0x3FAC]  }
0x2b: {  	s6 =	sld [smem:$0x3FAD]  }
0x2c: {  	s7 =	sld [smem:$0x3FAE]  }
0x2d: {  	s3 =	simm.s32 $0x108;
	s8 =	sld [smem:$0x3FAF]  }
0x2e: {  	s3 =	simm.s32 @!p0 $0x1082;
	s9 =	sld [smem:$0x3FB0]  }
0x2f: {  	lr =	sadd.s32 s0, s3;
	s0 =	sld [smem:$0x3FA7]  }
0x30: {  	s3 =	sld [smem:$0x3FAA]  }
0x31: {  	[smem:$0x3FB3] =	sst s10  }
0x32: {  	s10 =	sld [smem:$0x3FB1];
	_ =	sdelay $0x3  }
0x33: {  	p0 =	seq.s32 s10, $0x1;
	s10 =	sld [smem:$0x3FB3];
	_ =	sdelay $0x3  }
0x34: {  	[smem:$0x3FB3] =	sst s10  }
0x35: {  	s10 =	sld [smem:$0x3FB2];
	_ =	sdelay $0x3  }
0x36: {  	p1 =	seq.s32 s10, $0x1;
	s10 =	sld [smem:$0x3FB3];
	_ =	sdelay $0x3  }
0x37: {  	[smem:$0x3FB3] =	sst s10  }
0x38: {  	s10 =	sld [smem:$0x3FB4]  }
0x39: {  	_ = 	snop;
	(pc) =	sbr.ind lr, $3  }
0x3a: {  	_ = 	snop  }
0x3b: {  	_ = 	snop  }
0x3c: {  	p2 =	seq.s32 s10, $0x1;
	s10 =	sld [smem:$0x3FB3]  }
0x3d: {  	_ =	shalt  }
0x3e: {  	_ =	shalt  }
0x3f: {  	_ =	shalt  }
0x40: {  	_ =	shalt  }
0x41: {  	_ =	shalt  }
0x42: {  	_ =	shalt  }
0x43: {  	_ =	shalt  }
0x44: {  	_ =	shalt  }
0x45: {  	_ =	shalt  }
0x46: {  	_ =	shalt  }
0x47: {  	_ =	shalt  }
0x48: {  	_ =	shalt  }
0x49: {  	_ =	shalt  }
0x4a: {  	_ =	shalt  }
0x4b: {  	_ =	shalt  }
0x4c: {  	_ =	shalt  }
0x4d: {  	_ =	shalt  }
0x4e: {  	_ =	shalt  }
0x4f: {  	_ =	shalt  }
0x50: {  	_ =	shalt  }
0x51: {  	_ =	shalt  }
0x52: {  	_ =	shalt  }
0x53: {  	_ =	shalt  }
0x54: {  	_ =	shalt  }
0x55: {  	_ =	shalt  }
0x56: {  	_ =	shalt  }
0x57: {  	_ =	shalt  }
0x58: {  	_ =	shalt  }
0x59: {  	_ =	shalt  }
0x5a: {  	_ =	shalt  }
0x5b: {  	_ =	shalt  }
0x5c: {  	_ =	shalt  }
0x5d: {  	_ =	shalt  }
0x5e: {  	_ =	shalt  }
0x5f: {  	_ =	shalt  }
0x60: {  	_ =	shalt  }
0x61: {  	_ =	shalt  }
0x62: {  	_ =	shalt  }
0x63: {  	_ =	shalt  }
0x64: {  	_ =	shalt  }
0x65: {  	_ =	shalt  }
0x66: {  	_ =	shalt  }
0x67: {  	_ =	shalt  }
0x68: {  	_ =	shalt  }
0x69: {  	_ =	shalt  }
0x6a: {  	_ =	shalt  }
0x6b: {  	_ =	shalt  }
0x6c: {  	_ =	shalt  }
0x6d: {  	_ =	shalt  }
0x6e: {  	_ =	shalt  }
0x6f: {  	_ =	shalt  }
0x70: {  	_ =	shalt  }
0x71: {  	_ =	shalt  }
0x72: {  	_ =	shalt  }
0x73: {  	_ =	shalt  }
0x74: {  	_ =	shalt  }
0x75: {  	_ =	shalt  }
0x76: {  	_ =	shalt  }
0x77: {  	_ =	shalt  }
0x78: {  	_ =	shalt  }
0x79: {  	_ =	shalt  }
0x7a: {  	_ =	shalt  }
0x7b: {  	_ =	shalt  }
0x7c: {  	_ =	shalt  }
0x7d: {  	_ =	shalt  }
0x7e: {  	_ =	shalt  }
0x7f: {  	_ =	shalt  }
0x80: {  	_ =	shalt  }
0x81: {  	_ =	shalt  }
0x82: {  	_ =	shalt  }
0x83: {  	_ =	shalt  }
0x84: {  	_ =	shalt  }
0x85: {  	_ =	shalt  }
0x86: {  	_ =	shalt  }
0x87: {  	_ =	shalt  }
.Lfunc_end0:
.L_simem_size_0:
called_computation_lowered:
.L_overlay_start_0:
0x88: {  	s2 =	sld [smem:$0x3FD9]  }
0x89: {  	s3 =	sld [smem:$0x3FFE];
	_ =	sdelay $0x1  }
0x8a: {  	s1 =	srdreg.scid  }
0x8b: {  	s0 =	sand.u32 $0x1, s1  }
0x8c: {  	s17 =	sshll.u32 s0, $0xA;
	s2 =	sadd.s32 s3, s2  }
0x8d: {  	s2 =	sadd.s32 s2, s17  }
0x8e: {  	[smem:$0x3FBF] =	sst s2  }
0x8f: {  	_ = 	snop  }
0x90: {  	s2 =	sld [smem:$0x3FC8]  }
0x91: {  	s18 =	sld [smem:$0x3FD0];
	(tm) =	ssettm $0x1  }
0x92: {  	s4 =	sld [smem:$0x3FFB];
	_ =	sdelay $0x3  }
0x93: {  	_ =	strace s4  }
0x94: {  	s4 =	sld [smem:$0x3FFC];
	_ =	sdelay $0x3  }
0x95: {  	_ =	strace s4  }
0x96: {  	s4 =	sld [smem:$0x3FFD];
	_ =	sdelay $0x3  }
0x97: {  	_ =	strace s4  }
0x98: {  	_ =	strace $0x8FFFFFFF  }
0x99: {  	s19 =	sld [smem:$0x3FDB];
	_ =	sdelay $0x1  }
0x9a: {  	s5 =	simm.s32 $_scs_section_size  }
0x9b: {  	s6 =	simm.s32 $_size__tile_overlayer_lowered;
	s7 =	simm.s32 $_tile_overlayer_lowered  }
0x9c: {  	s22 =	simm.s32 $0x1BFF;
	s21 =	sshll.u32 s7, $0x1;
	s4 =	sadd.s32 s5, s19  }
0x9d: {  	s8 =	simm.s32 $0x0;
	s20 =	sshll.u32 s6, $0x1;
	s6 =	sadd.s32 s21, s4  }
0x9e: {  	[timem:s8], [sflag:s22] =	dma.local [hbm:s6], s20  }
0x9f: {  	_ =	swait.ge [sflag:s22], s20  }
0xa0: {  	s5 =	ssub.s32 $0x0, s20;
	[sflag:s22] =	ssyncset.done $0x0  }
0xa1: {  	[sflag:s22] =	ssyncadd.s32 s5;
	_ =	sdelay $0x1  }
0xa2: {  	s23 =	simm.s32 $0x1B8B  }
0xa3: {  	_ =	swait.ge [sflag:s23], $0x1  }
0xa4: {  	[sflag:s23] =	ssyncset.done $0x0  }
0xa5: {  	s25 =	simm.s32 $0x1B8E;
	s24 =	sld [smem:$0x3FFE];
	[sflag:s23] =	ssyncadd.s32 $0xFFFFFFFF  }
0xa6: {  	s26 =	simm.s32 $execute0_lowered;
	[smem:$0x3FD2] =	sst s25  }
0xa7: {  	s6 =	sshll.u32 s26, $0x1;
	_ =	strace $0x80000046;
	[dreg:$0x1] =	wrdreg $0xFFFFFFFF  }
0xa8: {  	s28 =	simm.s32 $_size_execute0_lowered;
	s4 =	sadd.s32 s4, s6;
	[dreg:$0x0] =	wrdreg $0x0  }
0xa9: {  	s6 =	sshll.u32 s28, $0x1;
	[dreg:$0x2] =	wrdreg s4  }
0xaa: {  	[dreg:$0x3] =	wrdreg s6  }
0xab: {  	[dreg:$0x4] =	wrdreg $0xC0  }
0xac: {  	_ =	task [dreg:s8], $0x5FFFF  }
0xad: {  	[dreg:$0x1] =	wrdreg $0xFFFFFFFF  }
0xae: {  	[dreg:$0x0] =	wrdreg $0x60  }
0xaf: {  	[dreg:$0x2] =	wrdreg s18  }
0xb0: {  	[dreg:$0x3] =	wrdreg s24  }
0xb1: {  	[dreg:$0x4] =	wrdreg s2  }
0xb2: {  	[dreg:$0x5] =	wrdreg $0x7F000  }
0xb3: {  	[dreg:$0x6] =	wrdreg $0x9  }
0xb4: {  	_ =	task.clear_ibuf [dreg:s8], $0x7FFFF;
	_ =	strace $0x90000046  }
0xb5: {  	s29 =	simm.s32 $0x9;
	_ =	strace $0x80000048  }
0xb6: {  	_ =	swait.ge [sflag:s29], $0x1  }
0xb7: {  	[sflag:s29] =	ssyncadd.s32 $0xFFFFFFFF  }
0xb8: {  	_ =	strace $0x90000048  }
0xb9: {  	_ =	sfence  }
0xba: {  	s30 =	sld [smem:$0x0];
	_ =	sdelay $0x2  }
0xbb: {  	s31 =	sshll.u32 s1, $0xD;
	s1 =	sshrl.u32 s1, $0x2  }
0xbc: {  	s3 =	sand.u32 $0x4000, s31;
	s1 =	sadd.s32 s1, s30  }
0xbd: {  	s0 =	sor.u32 s3, s0;
	s1 =	sshll.u32 s1, $0x11  }
0xbe: {  	s0 =	sor.u32 s1, s0  }
0xbf: {  	s0 =	sadd.s32 $0x8F2B, s0  }
0xc0: {  	[sflag:s0] =	ssyncadd.remote.s32 $0x1  }
0xc1: {  	_ =	sfence.sel $0xFFFF  }
0xc2: {  	[dreg:$0x0] =	wrdreg $0xFFFFFFFF;
	(pc) =	sbr.abs _section_cstart, $3  }
0xc3: {  	[dreg:$0x1] =	wrdreg $0xFFFFFFFF  }
0xc4: {  	_ =	task.clear_ibuf [dreg:s8], $0x2FFFF;
	_ =	strace $0x9FFFFFFF  }
0xc5: {  	(tm) =	ssettm $0x7FFFFFFF  }
tec
execute0_lowered:
.L_overlay_start_1:
0x0: {  	(tag) =	ssettag $0x1  }
0x1: {  	s2 =	rddreg [dreg:$0x0]  }
0x2: {  	s0 =	rddreg [dreg:$0x1]  }
0x3: {  	s1 =	rddreg [dreg:$0x2]  }
0x4: {  	s3 =	rddreg [dreg:$0x3];
	s12 =	stileid.u32  }
0x5: {  	s5 =	simm.s32 $0x0;
	s14 =	srdreg.scid;
	s28 =	simm.s32 $0x6F00  }
0x6: {  	s29 =	simm.s32 $0x2;
	s30 =	simm.s32 $0x6;
	s4 =	smul.u32 $0x2780, s12  }
0x7: {  	[smem:$0x7FF] =	sst s5;
	s5 =	sand.u32 $0x1, s14;
	s7 =	sshll.u32 s12, $0x1  }
0x8: {  	s16 =	sadd.s32 $0x6200, s0;
	s11 =	sadd.s32 $0x6800, s0;
	s18 =	smul.u32 $0x9E00, s12  }
0x9: {  	s21 =	sadd.s32 $0x25080, s3;
	s31 =	sshll.u32 s12, $0x6;
	p1 =	sgt.u32 s12, $0x1  }
0xa: {  	p2 =	seq.s32 s12, $0xF;
	_ =	strace $0x80000047;
	s15 =	sor.u32 s5, s7  }
0xb: {  	[dreg:$0x5] =	wrdreg s16;
	s17 =	ssub.s32 $0x2, s5;
	p0 =	seq.s32 s5, $0x1  }
0xc: {  	s5 =	smul.u32 $0x27100, s5;
	[dreg:$0x8] =	wrdreg s21;
	s14 =	sor.u32 $0x1C0D, s31  }
0xd: {  	s16 =	simm.s32 $0xD;
	s21 =	simm.s32 $0x5;
	s6 =	sshrl.u32 s4, $0x3  }
0xe: {  	s9 =	smul.u32 $0x4E, s15;
	s10 =	sshrl.u32 s17, $0x1;
	s19 =	sadd.s32 s4, s3  }
0xf: {  	s22 =	sshrl.u32 s18, $0x2;
	s18 =	simm.s32 $0x4F00;
	s8 =	sadd.s32 s6, s0  }
0x10: {  	s6 =	smin.u32 s15, $0x4;
	s7 =	ssub.s32 s17, s10;
	[dreg:$0x6] =	wrdreg s19  }
0x11: {  	s0 =	sadd.s32 $0x5C10, s0;
	s23 =	sadd.s32 s22, s3;
	s24 =	sshrl.u32 s5, $0x3  }
0x12: {  	s4 =	sadd.s32 s4, s5;
	s17 =	simm.s32 $0x80;
	s22 =	simm.s32 $0x5F00  }
0x13: {  	s5 =	simm.s32 $0xB;
	s19 =	simm.s32 $0xC;
	s15 =	simm.s32 $0x0  }
0x14: {  	s9 =	sadd.s32 s6, s9;
	s20 =	sadd.s32 $0x1200, s8;
	[dreg:$0x9] =	wrdreg s0  }
0x15: {  	s8 =	sadd.s32 s11, s24;
	s26 =	sshrl.u32 s4, $0x3;
	s13 =	smax.u32 s7, $0x1  }
0x16: {  	s0 =	sshrl.u32 s23, $0x3;
	s24 =	simm.s32 $0x6700;
	s4 =	simm.s32 $0x4  }
0x17: {  	s23 =	simm.s32 $0x9;
	s7 =	simm.s32 $0xA;
	[dreg:$0x7] =	wrdreg s20  }
.Ltmp0:
0x18: {  	s9 =	sshll.u32 s9, $0x5;
	s25 =	sadd.s32 $0x4A10, s8;
	(pc) =	sbr.rel .LBB2_1-.Ltmp0, $4  }
0x19: {  	[dreg:$0xd] =	wrdreg s0;
	s20 =	simm.s32 $0x5700;
	s0 =	simm.s32 $0x7700  }
0x1a: {  	s8 =	simm.s32 $0x8;
	s1 =	sadd.s32 s1, s9;
	[dreg:$0xb] =	wrdreg s25  }
0x1b: {  	s25 =	simm.s32 $0x1;
	[dreg:$0xa] =	wrdreg s1;
	s1 =	sadd.s32 s11, s26  }
0x1c: {  	s9 =	simm.s32 $0x7;
	[dreg:$0xc] =	wrdreg s1;
	s1 =	simm.s32 $0x3  }
.LBB2_16:
0x1d: {  	s6 =	rddreg [dreg:$0x8]  }
0x1e: {  	s10 =	rddreg [dreg:$0xb];
	s11 =	simm.s32 $0x1FCD;
	s6 =	sshrl.u32 s6, $0x3  }
0x1f: {  	[hbm:s10], [sflag:s11] =	dma.local [spmem:s6], $0x410  }
0x20: {  	_ =	swait.ge [sflag:s16], $0x410  }
0x21: {  	[sflag:s16] =	ssyncset.done $0x0  }
0x22: {  	[sflag:s16] =	ssyncadd.s32 $0xFFFFFBF0  }
.LBB2_17:
0x23: {  	s15 =	sadd.s32 $0x1, s15  }
0x24: {  	p3 =	sne.s32 s15, s13  }
.Ltmp1:
0x25: {  	_ = 	snop;
	(pc) =	sbr.rel @!p3 .LBB2_18-.Ltmp1, $1  }
0x26: {  	_ =	sdelay $0x3  }
.LBB2_1:
.Ltmp2:
0x27: {  	(pc) =	sbr.rel @!p0 .LBB2_2-.Ltmp2, $1  }
0x28: {  	_ =	sdelay $0x3  }
.Ltmp3:
0x29: {  	(pc) =	sbr.rel .LBB2_5-.Ltmp3, $4  }
0x2a: {  	_ = 	snop  }
0x2b: {  	s6 =	rddreg [dreg:$0x5]  }
0x2c: {  	s10 =	rddreg [dreg:$0xd]  }
0x2d: {  	[spmem:s10], [sflag:s14] =	dma.local [hbm:s6], $0x4F0  }
.LBB2_2:
.Ltmp4:
0x2e: {  	(pc) =	sbr.rel @!p2 .LBB2_3-.Ltmp4, $1  }
0x2f: {  	_ =	sdelay $0x3  }
0x30: {  	s6 =	rddreg [dreg:$0x8]  }
0x31: {  	s31 =	rddreg [dreg:$0x9]  }
.Ltmp5:
0x32: {  	s10 =	simm.s32 $0x1FCD;
	s11 =	sshrl.u32 s6, $0x3;
	(pc) =	sbr.rel .LBB2_8-.Ltmp5, $4  }
0x33: {  	[spmem:s11], [sflag:s10] =	dma.local [hbm:s31], $0x410  }
0x34: {  	_ =	swait.ge [sflag:s16], $0x410  }
0x35: {  	[sflag:s16] =	ssyncset.done $0x0  }
0x36: {  	[sflag:s16] =	ssyncadd.s32 $0xFFFFFBF0  }
.LBB2_3:
0x37: {  	s6 =	rddreg [dreg:$0x6]  }
0x38: {  	s31 =	rddreg [dreg:$0x7];
	s11 =	sshrl.u32 s6, $0x3  }
0x39: {  	[spmem:s11], [sflag:s14] =	dma.local [hbm:s31], $0x4F0  }
.LBB2_5:
.Ltmp6:
0x3a: {  	(pc) =	sbr.rel @p1 .LBB2_8-.Ltmp6, $4  }
0x3b: {  	_ = 	snop  }
0x3c: {  	_ =	swait.ge [sflag:s16], $0x4F0  }
0x3d: {  	[sflag:s16] =	ssyncset.done $0x0  }
0x3e: {  	[sflag:s16] =	ssyncadd.s32 $0xFFFFFB10  }
.Ltmp7:
0x3f: {  	s6 =	simm.s32 $0x0;
	s10 =	rddreg [dreg:$0xa];
	(pc) =	sbr.rel .LBB2_9-.Ltmp7, $4  }
0x40: {  	[tilespmem:s6], [sflag:$0xD] =	stream.linear.gather [hbm4b:s10+s6], $0x4F00, $0x38;
	[tilespmem:$0xA680] =	vst v63  }
0x41: {  	_ =	swait.ge [sflag:s16], $0x4F00  }
0x42: {  	[sflag:s16] =	ssyncset.done $0x0  }
0x43: {  	p3 =	por $0x1, $0x1;
	[sflag:s16] =	ssyncadd.s32 $0xFFFFB100  }
.LBB2_8:
0x44: {  	s6 =	simm.s32 $0x0;
	s10 =	rddreg [dreg:$0xa]  }
0x45: {  	[tilespmem:s6], [sflag:$0xD] =	stream.linear.gather [hbm4b:s10+s6], $0x4E00, $0x38;
	[tilespmem:$0xA680] =	vst v63  }
0x46: {  	_ =	swait.ge [sflag:s16], $0x4E00  }
0x47: {  	[sflag:s16] =	ssyncset.done $0x0  }
0x48: {  	p3 =	por $0x0, $0x0;
	[sflag:s16] =	ssyncadd.s32 $0xFFFFB200  }
.LBB2_9:
0x49: {  	[bflag:$0x0] =	sbarrier.arrive $0xFFFF;
	s26 =	simm.s32 $0x0  }
0x4a: {  	[tilespmem:s18], [sflag:$0x1] =	stream.indirect.gather [hbm4b:s2+s17], $0x10, s26, s17, $0xb8;
	[tilespmem:$0xA680] =	vst v63  }
0x4b: {  	s6 =	simm.s32 $0x100  }
0x4c: {  	[tilespmem:s20], [sflag:$0x2] =	stream.indirect.gather [hbm4b:s2+s17], $0x10, s6, s17, $0xb8;
	[tilespmem:$0xA680] =	vst v63  }
0x4d: {  	s31 =	simm.s32 $0x200  }
0x4e: {  	[tilespmem:s22], [sflag:$0x3] =	stream.indirect.gather [hbm4b:s2+s17], $0x10, s31, s17, $0xb8;
	[tilespmem:$0xA680] =	vst v63  }
0x4f: {  	s10 =	simm.s32 $0x300  }
0x50: {  	[tilespmem:s24], [sflag:$0x4] =	stream.indirect.gather [hbm4b:s2+s17], $0x10, s10, s17, $0xb8;
	[tilespmem:$0xA680] =	vst v63  }
0x51: {  	_ =	swait.ge [sflag:s25], $0x800  }
0x52: {  	[sflag:s25] =	ssyncset.done $0x0  }
0x53: {  	[sflag:s25] =	ssyncadd.s32 $0xFFFFF800  }
0x54: {  	[spmem:s3] =	stream.indirect.scatter.add.f32 [tilespmem:s18], [sflag:$0x7], $0x10, s17, s17, $0xb8;
	[tilespmem:$0xA680] =	vst v63  }
0x55: {  	s11 =	simm.s32 $0x400  }
0x56: {  	[tilespmem:s28], [sflag:$0x5] =	stream.indirect.gather [hbm4b:s2+s17], $0x10, s11, s17, $0xb8;
	[tilespmem:$0xA680] =	vst v63  }
0x57: {  	_ =	swait.ge [sflag:s29], $0x800  }
0x58: {  	[sflag:s29] =	ssyncset.done $0x0  }
0x59: {  	s12 =	simm.s32 $0x180;
	[sflag:s29] =	ssyncadd.s32 $0xFFFFF800  }
0x5a: {  	[spmem:s3] =	stream.indirect.scatter.add.f32 [tilespmem:s20], [sflag:$0x8], $0x10, s12, s17, $0xb8;
	[tilespmem:$0xA680] =	vst v63  }
0x5b: {  	s31 =	simm.s32 $0x500  }
0x5c: {  	[tilespmem:s0], [sflag:$0x6] =	stream.indirect.gather [hbm4b:s2+s17], $0x10, s31, s17, $0xb8;
	[tilespmem:$0xA680] =	vst v63  }
0x5d: {  	_ =	swait.ge [sflag:s1], $0x800  }
0x5e: {  	[sflag:s1] =	ssyncset.done $0x0  }
0x5f: {  	s10 =	simm.s32 $0x280;
	[sflag:s1] =	ssyncadd.s32 $0xFFFFF800  }
0x60: {  	[spmem:s3] =	stream.indirect.scatter.add.f32 [tilespmem:s22], [sflag:$0x9], $0x10, s10, s17, $0xb8;
	[tilespmem:$0xA680] =	vst v63  }
0x61: {  	_ =	swait.ge [sflag:s9], $0x800  }
0x62: {  	[sflag:s9] =	ssyncset.done $0x0  }
0x63: {  	s11 =	simm.s32 $0x600;
	[sflag:s9] =	ssyncadd.s32 $0xFFFFF800  }
0x64: {  	[tilespmem:s18], [sflag:$0x1] =	stream.indirect.gather [hbm4b:s2+s17], $0x10, s11, s17, $0xb8;
	[tilespmem:$0xA680] =	vst v63  }
0x65: {  	_ =	swait.ge [sflag:s4], $0x800  }
0x66: {  	[sflag:s4] =	ssyncset.done $0x0  }
0x67: {  	s12 =	simm.s32 $0x380;
	[sflag:s4] =	ssyncadd.s32 $0xFFFFF800  }
0x68: {  	[spmem:s3] =	stream.indirect.scatter.add.f32 [tilespmem:s24], [sflag:$0xA], $0x10, s12, s17, $0xb8;
	[tilespmem:$0xA680] =	vst v63  }
0x69: {  	_ =	swait.ge [sflag:s8], $0x800  }
0x6a: {  	[sflag:s8] =	ssyncset.done $0x0  }
0x6b: {  	s31 =	simm.s32 $0x700;
	[sflag:s8] =	ssyncadd.s32 $0xFFFFF800  }
0x6c: {  	[tilespmem:s20], [sflag:$0x2] =	stream.indirect.gather [hbm4b:s2+s17], $0x10, s31, s17, $0xb8;
	[tilespmem:$0xA680] =	vst v63  }
0x6d: {  	_ =	swait.ge [sflag:s21], $0x800  }
0x6e: {  	[sflag:s21] =	ssyncset.done $0x0  }
0x6f: {  	s10 =	simm.s32 $0x480;
	[sflag:s21] =	ssyncadd.s32 $0xFFFFF800  }
0x70: {  	[spmem:s3] =	stream.indirect.scatter.add.f32 [tilespmem:s28], [sflag:$0xB], $0x10, s10, s17, $0xb8;
	[tilespmem:$0xA680] =	vst v63  }
0x71: {  	_ =	swait.ge [sflag:s23], $0x800  }
0x72: {  	[sflag:s23] =	ssyncset.done $0x0  }
0x73: {  	s11 =	simm.s32 $0x800;
	[sflag:s23] =	ssyncadd.s32 $0xFFFFF800  }
0x74: {  	[tilespmem:s22], [sflag:$0x3] =	stream.indirect.gather [hbm4b:s2+s17], $0x10, s11, s17, $0xb8;
	[tilespmem:$0xA680] =	vst v63  }
0x75: {  	_ =	swait.ge [sflag:s30], $0x800  }
0x76: {  	[sflag:s30] =	ssyncset.done $0x0  }
0x77: {  	s12 =	simm.s32 $0x580;
	[sflag:s30] =	ssyncadd.s32 $0xFFFFF800  }
0x78: {  	[spmem:s3] =	stream.indirect.scatter.add.f32 [tilespmem:s0], [sflag:$0xC], $0x10, s12, s17, $0xb8;
	[tilespmem:$0xA680] =	vst v63  }
0x79: {  	_ =	swait.ge [sflag:s7], $0x800  }
0x7a: {  	[sflag:s7] =	ssyncset.done $0x0  }
0x7b: {  	s31 =	simm.s32 $0x900;
	[sflag:s7] =	ssyncadd.s32 $0xFFFFF800  }
0x7c: {  	[tilespmem:s24], [sflag:$0x4] =	stream.indirect.gather [hbm4b:s2+s17], $0x10, s31, s17, $0xb8;
	[tilespmem:$0xA680] =	vst v63  }
.LBB2_10:
0x7d: {  	_ =	swait.ge [sflag:s25], $0x800  }
0x7e: {  	s31 =	sshra.s32 s26, $0x2;
	[sflag:s25] =	ssyncset.done $0x0  }
0x7f: {  	s11 =	sadd.s32 $0x680, s31;
	[sflag:s25] =	ssyncadd.s32 $0xFFFFF800  }
0x80: {  	[spmem:s3] =	stream.indirect.scatter.add.f32 [tilespmem:s18], [sflag:$0x7], $0x10, s11, s17, $0xb8;
	[tilespmem:$0xA680] =	vst v63  }
0x81: {  	_ =	swait.ge [sflag:s5], $0x800  }
0x82: {  	[sflag:s5] =	ssyncset.done $0x0  }
0x83: {  	s10 =	sadd.s32 $0xA00, s31;
	[sflag:s5] =	ssyncadd.s32 $0xFFFFF800  }
0x84: {  	[tilespmem:s28], [sflag:$0x5] =	stream.indirect.gather [hbm4b:s2+s17], $0x10, s10, s17, $0xb8;
	[tilespmem:$0xA680] =	vst v63  }
0x85: {  	_ =	swait.ge [sflag:s29], $0x800  }
0x86: {  	[sflag:s29] =	ssyncset.done $0x0  }
0x87: {  	s12 =	sadd.s32 $0x780, s31;
	[sflag:s29] =	ssyncadd.s32 $0xFFFFF800  }
0x88: {  	[spmem:s3] =	stream.indirect.scatter.add.f32 [tilespmem:s20], [sflag:$0x8], $0x10, s12, s17, $0xb8;
	[tilespmem:$0xA680] =	vst v63  }
0x89: {  	_ =	swait.ge [sflag:s19], $0x800  }
0x8a: {  	[sflag:s19] =	ssyncset.done $0x0  }
0x8b: {  	s6 =	sadd.s32 $0xB00, s31;
	[sflag:s19] =	ssyncadd.s32 $0xFFFFF800  }
0x8c: {  	[tilespmem:s0], [sflag:$0x6] =	stream.indirect.gather [hbm4b:s2+s17], $0x10, s6, s17, $0xb8;
	[tilespmem:$0xA680] =	vst v63  }
0x8d: {  	_ =	swait.ge [sflag:s1], $0x800  }
0x8e: {  	p4 =	seq.s32 s26, $0x10800;
	[sflag:s1] =	ssyncset.done $0x0  }
0x8f: {  	s11 =	simm.s32 @p4 $0x4;
	s10 =	sadd.s32 $0x880, s31;
	[sflag:s1] =	ssyncadd.s32 $0xFFFFF800  }
0x90: {  	[spmem:s3] =	stream.indirect.scatter.add.f32 [tilespmem:s22], [sflag:$0x9], $0x10, s10, s17, $0xb8;
	[tilespmem:$0xA680] =	vst v63  }
0x91: {  	_ =	swait.ge @p4 [sflag:s11], $0x800  }
0x92: {  	[sflag:s11] =	ssyncset.done @p4 $0x0  }
0x93: {  	[sflag:s11] =	ssyncadd.s32 @p4 $0xFFFFF800;
	s11 =	sshra.s32 @p4 s26, $0x2  }
0x94: {  	s12 =	simm.s32 @p4 $0x80;
	s6 =	simm.s32 @p4 $0x6700;
	s11 =	sadd.s32 @p4 $0x980, s11  }
0x95: {  	[spmem:s3] =	stream.indirect.scatter.add.f32 @p4 [tilespmem:s6], [sflag:$0xA], $0x10, s11, s12, $0xb8;
	[tilespmem:$0xA680] =	vst v63  }
0x96: {  	s6 =	simm.s32 @!p4 $0x7  }
0x97: {  	_ =	swait.ge @!p4 [sflag:s6], $0x800  }
0x98: {  	[sflag:s6] =	ssyncset.done @!p4 $0x0  }
0x99: {  	[sflag:s6] =	ssyncadd.s32 @!p4 $0xFFFFF800;
	s6 =	sshra.s32 @!p4 s26, $0x2  }
0x9a: {  	s10 =	simm.s32 @!p4 $0x4F00;
	s12 =	simm.s32 @!p4 $0x80;
	s11 =	sadd.s32 @!p4 $0xC00, s6  }
0x9b: {  	[tilespmem:s10], [sflag:$0x1] =	stream.indirect.gather @!p4 [hbm4b:s2+s12], $0x10, s11, s12, $0xb8;
	[tilespmem:$0xA680] =	vst v63  }
0x9c: {  	s10 =	simm.s32 @!p4 $0x4  }
0x9d: {  	_ =	swait.ge @!p4 [sflag:s10], $0x800  }
0x9e: {  	[sflag:s10] =	ssyncset.done @!p4 $0x0  }
0x9f: {  	s11 =	simm.s32 @!p4 $0x6700;
	[sflag:s10] =	ssyncadd.s32 @!p4 $0xFFFFF800;
	s10 =	sadd.s32 @!p4 $0x980, s6  }
0xa0: {  	[spmem:s3] =	stream.indirect.scatter.add.f32 @!p4 [tilespmem:s11], [sflag:$0xA], $0x10, s10, s12, $0xb8;
	[tilespmem:$0xA680] =	vst v63  }
0xa1: {  	s10 =	simm.s32 @!p4 $0x8  }
0xa2: {  	_ =	swait.ge @!p4 [sflag:s10], $0x800  }
0xa3: {  	[sflag:s10] =	ssyncset.done @!p4 $0x0  }
0xa4: {  	s6 =	sadd.s32 @!p4 $0xD00, s6;
	[sflag:s10] =	ssyncadd.s32 @!p4 $0xFFFFF800;
	s10 =	simm.s32 @!p4 $0x5700  }
0xa5: {  	[tilespmem:s10], [sflag:$0x2] =	stream.indirect.gather @!p4 [hbm4b:s2+s12], $0x10, s6, s12, $0xb8;
	[tilespmem:$0xA680] =	vst v63  }
.Ltmp8:
0xa6: {  	_ = 	snop;
	(pc) =	sbr.rel @p4 .LBB2_12-.Ltmp8, $4  }
0xa7: {  	_ =	swait.ge [sflag:s21], $0x800  }
0xa8: {  	[sflag:s21] =	ssyncset.done $0x0  }
0xa9: {  	s11 =	sadd.s32 $0xB80, s31;
	s12 =	sadd.s32 $0xA80, s31;
	[sflag:s21] =	ssyncadd.s32 $0xFFFFF800  }
0xaa: {  	[spmem:s3] =	stream.indirect.scatter.add.f32 [tilespmem:s28], [sflag:$0xB], $0x10, s12, s17, $0xb8;
	[tilespmem:$0xA680] =	vst v63  }
0xab: {  	_ =	swait.ge [sflag:s23], $0x800  }
0xac: {  	[sflag:s23] =	ssyncset.done $0x0  }
0xad: {  	s6 =	sadd.s32 $0xE00, s31;
	[sflag:s23] =	ssyncadd.s32 $0xFFFFF800  }
0xae: {  	[tilespmem:s22], [sflag:$0x3] =	stream.indirect.gather [hbm4b:s2+s17], $0x10, s6, s17, $0xb8;
	[tilespmem:$0xA680] =	vst v63  }
0xaf: {  	_ =	swait.ge [sflag:s30], $0x800  }
0xb0: {  	[sflag:s30] =	ssyncset.done $0x0  }
0xb1: {  	[sflag:s30] =	ssyncadd.s32 $0xFFFFF800  }
0xb2: {  	[spmem:s3] =	stream.indirect.scatter.add.f32 [tilespmem:s0], [sflag:$0xC], $0x10, s11, s17, $0xb8;
	[tilespmem:$0xA680] =	vst v63  }
.Ltmp9:
0xb3: {  	_ = 	snop;
	(pc) =	sbr.rel .LBB2_10-.Ltmp9, $4  }
0xb4: {  	_ =	swait.ge [sflag:s7], $0x800  }
0xb5: {  	[sflag:s7] =	ssyncset.done $0x0  }
0xb6: {  	s31 =	sadd.s32 $0xF00, s31;
	s26 =	sadd.s32 $0x1800, s26;
	[sflag:s7] =	ssyncadd.s32 $0xFFFFF800  }
0xb7: {  	[tilespmem:s24], [sflag:$0x4] =	stream.indirect.gather [hbm4b:s2+s17], $0x10, s31, s17, $0xb8;
	[tilespmem:$0xA680] =	vst v63  }
.LBB2_12:
0xb8: {  	_ =	swait.ge [sflag:s30], $0x800  }
0xb9: {  	[sflag:s30] =	ssyncset.done $0x0  }
0xba: {  	[sflag:s30] =	ssyncadd.s32 $0xFFFFF800  }
0xbb: {  	[spmem:s3] =	stream.indirect.scatter.add.f32 [tilespmem:s0], [sflag:$0xC], $0x10, s11, s17, $0xb8;
	[tilespmem:$0xA680] =	vst v63  }
0xbc: {  	_ =	swait.ge [sflag:s9], $0x800  }
0xbd: {  	[sflag:s9] =	ssyncset.done $0x0  }
0xbe: {  	[sflag:s9] =	ssyncadd.s32 $0xFFFFF800  }
0xbf: {  	_ =	swait.ge [sflag:s8], $0x800  }
0xc0: {  	[sflag:s8] =	ssyncset.done $0x0  }
0xc1: {  	[sflag:s8] =	ssyncadd.s32 $0xFFFFF800  }
0xc2: {  	_ =	swait.ge [sflag:s23], $0x800  }
0xc3: {  	[sflag:s23] =	ssyncset.done $0x0  }
0xc4: {  	[sflag:s23] =	ssyncadd.s32 $0xFFFFF800  }
0xc5: {  	_ =	swait.ge [sflag:s7], $0x800  }
0xc6: {  	[sflag:s7] =	ssyncset.done $0x0  }
0xc7: {  	[sflag:s7] =	ssyncadd.s32 $0xFFFFF800  }
0xc8: {  	_ =	swait.ge [sflag:s5], $0x800  }
.Ltmp10:
0xc9: {  	[sflag:s5] =	ssyncset.done $0x0;
	(pc) =	sbr.rel @!p3 .LBB2_14-.Ltmp10, $4  }
0xca: {  	[sflag:s5] =	ssyncadd.s32 $0xFFFFF800  }
0xcb: {  	_ =	swait.ge [sflag:s19], $0x800  }
0xcc: {  	[sflag:s19] =	ssyncset.done $0x0  }
0xcd: {  	[sflag:s19] =	ssyncadd.s32 $0xFFFFF800  }
0xce: {  	s6 =	simm.s32 $0x4E00  }
0xcf: {  	[tilespmem:s18], [sflag:$0xD] =	stream.indirect.gather [hbm4b:s2+s17], $0x10, s6, s17, $0xb8;
	[tilespmem:$0xA680] =	vst v63  }
0xd0: {  	_ =	swait.ge [sflag:s16], $0x800  }
0xd1: {  	[sflag:s16] =	ssyncset.done $0x0  }
0xd2: {  	s31 =	simm.s32 $0x4E80;
	[sflag:s16] =	ssyncadd.s32 $0xFFFFF800  }
0xd3: {  	[spmem:s3] =	stream.indirect.scatter.add.f32 [tilespmem:s18], [sflag:$0xD], $0x10, s31, s17, $0xb8;
	[tilespmem:$0xA680] =	vst v63  }
.Ltmp11:
0xd4: {  	_ =	swait.ge [sflag:s16], $0x800;
	(pc) =	sbr.rel .LBB2_15-.Ltmp11, $3  }
0xd5: {  	[sflag:s16] =	ssyncset.done $0x0  }
0xd6: {  	[sflag:s16] =	ssyncadd.s32 $0xFFFFF800  }
0xd7: {  	[bflag:$0x0] =	sbarrier.arrive $0xFFFF;
	_ =	sdelay $0x1  }
.LBB2_14:
.Ltmp12:
0xd8: {  	(pc) =	sbr.rel @p2 .LBB2_16-.Ltmp12, $2  }
0xd9: {  	_ =	sdelay $0x1  }
0xda: {  	[bflag:$0x0] =	sbarrier.arrive $0xFFFF;
	_ =	sdelay $0x1  }
.LBB2_15:
0xdb: {  	s6 =	rddreg [dreg:$0x6]  }
.Ltmp13:
0xdc: {  	s10 =	rddreg [dreg:$0xc];
	s6 =	sshrl.u32 s6, $0x3;
	(pc) =	sbr.rel .LBB2_17-.Ltmp13, $4  }
0xdd: {  	[hbm:s10], [sflag:s14] =	dma.local [spmem:s6], $0x4F0  }
0xde: {  	_ =	swait.ge [sflag:s16], $0x4F0  }
0xdf: {  	[sflag:s16] =	ssyncset.done $0x0  }
0xe0: {  	[sflag:s16] =	ssyncadd.s32 $0xFFFFFB10  }
.LBB2_18:
0xe1: {  	_ =	sfence.sel $0x180000  }
0xe2: {  	[bflag:$0x0] =	sbarrier.arrive $0xFFFF  }
0xe3: {  	_ =	strace $0x90000047  }
0xe4: {  	s0 =	stileid.u32;
	[bflag:$0x2] =	sbarrier.arrive $0xFFFF  }
0xe5: {  	p0 =	sne.s32 s0, $0x0;
	s0 =	rddreg [dreg:$0x4]  }
0xe6: {  	s0 =	sadd.s32 @!p0 $0x100000, s0  }
0xe7: {  	[sflag:s0] =	ssyncadd.tile.s32 @!p0 $0x1;
	_ =	shalt  }
.Lfunc_end2:
_tile_overlayer_lowered:
.L_overlay_start_2:
0xe8: {  	(tag) =	ssettag $0x2  }
0xe9: {  	s0 =	rddreg [dreg:$0x0];
	s2 =	stileid.u32  }
0xea: {  	s1 =	rddreg [dreg:$0x1];
	p0 =	sne.s32 s2, $0x0  }
0xeb: {  	s3 =	rddreg [dreg:$0x2];
	[bflag:$0x3] =	sbarrier.arrive $0xFFFF;
	s2 =	simm.s32 @!p0 $0x1C0D  }
0xec: {  	[timem:s3], [sflag:s2] =	dma.local @!p0 [hbm:s0], s1  }
0xed: {  	s0 =	simm.s32 @!p0 $0xD  }
0xee: {  	_ =	swait.ge @!p0 [sflag:s0], s1  }
0xef: {  	s1 =	ssub.s32 @!p0 $0x0, s1;
	[sflag:s0] =	ssyncset.done @!p0 $0x0  }
0xf0: {  	[sflag:s0] =	ssyncadd.s32 @!p0 s1  }
0xf1: {  	[bflag:$0x3] =	sbarrier.arrive $0xFFFF  }
0xf2: {  	_ =	shalt  }

</sc_bundles>
